<compile_context>
chip_gen: v7x
topology: tpu7x:2x2x1
jax: 0.10.2.dev20260603
libtpu: 0.0.44.dev20260713+nightly
codegen_flags: <defaults>
</compile_context>

<pallas_src>
import jax
import jax.numpy as jnp
import numpy as np
from jax import lax
from jax.experimental import pallas as pl
from jax.experimental.pallas import tpu as pltpu
from jax.experimental.pallas import tpu_sc as plsc

B = 4
N = 65536
VS = 100
D = VS + 2
MIN_DEN = 1e-12
OUT_CH = 10

_RES = np.float32(2.0) / np.float32(100.0 + MIN_DEN)
_DENOM = np.float32(_RES + np.float32(MIN_DEN))
_BMS = np.float32(-1.0) - _RES

NW = 32
NTASK = B * VS
ROUNDS = (NTASK + NW - 1) // NW

CHUNK = 2048
NCHUNK = N // CHUNK
PROW = 6 * CHUNK
CELLS = VS * VS
ACC = 7 * CELLS
FIN = 2000
FROWS = FIN * OUT_CH
L = 16


def _sc_body(pts_hbm, out_hbm, stage_a, stage_b, acc, outbuf, sem_a, sem_b):
    wid = lax.axis_index("s") * 2 + lax.axis_index("c")

    lanes = lax.iota(jnp.int32, L)
    ones = jnp.ones((L,), jnp.float32)

    @pl.loop(0, ACC // L)
    def _zero(i):
        acc[pl.ds(i * L, L)] = jnp.zeros((L,), jnp.float32)

    @pl.loop(0, ROUNDS)
    def _round(r):
        t = wid + r * NW

        @pl.when(t < NTASK)
        def _task():
            b = t // VS
            po = t % VS
            xp = po + 1

            def _copy(ci, stg, sem):
                return pltpu.make_async_copy(
                    pts_hbm.at[pl.ds((b * NCHUNK + ci) * PROW, PROW)],
                    stg, sem)

            def _scan(stg):
                @pl.loop(0, CHUNK // L)
                def _group(g):
                    o = g * L
                    cx = stg[pl.ds(o, L)]
                    ix = ((cx - _BMS) / _DENOM).astype(jnp.int32)
                    pmsk = ix == xp

                    @pl.when(jnp.any(pmsk))
                    def _hit():
                        cy = stg[pl.ds(CHUNK + o, L)]
                        cz = stg[pl.ds(2 * CHUNK + o, L)]
                        f0 = stg[pl.ds(3 * CHUNK + o, L)]
                        f1 = stg[pl.ds(4 * CHUNK + o, L)]
                        f2 = stg[pl.ds(5 * CHUNK + o, L)]

                        iy = ((cy - _BMS) / _DENOM).astype(jnp.int32)
                        iz = ((cz - _BMS) / _DENOM).astype(jnp.int32)
                        msk = (
                            pmsk
                            & (iy >= 1) & (iy <= VS)
                            & (iz >= 1) & (iz <= VS)
                        )
                        cell = (iy - 1) * VS + (iz - 1)
                        cell = jnp.minimum(jnp.maximum(cell, 0), CELLS - 1)

                        plsc.addupdate_scatter(acc, [cell], cx, mask=msk)
                        plsc.addupdate_scatter(acc, [cell + CELLS], cy, mask=msk)
                        plsc.addupdate_scatter(acc, [cell + 2 * CELLS], cz, mask=msk)
                        plsc.addupdate_scatter(acc, [cell + 3 * CELLS], f0, mask=msk)
                        plsc.addupdate_scatter(acc, [cell + 4 * CELLS], f1, mask=msk)
                        plsc.addupdate_scatter(acc, [cell + 5 * CELLS], f2, mask=msk)
                        plsc.addupdate_scatter(acc, [cell + 6 * CELLS], ones, mask=msk)

            _copy(0, stage_a, sem_a).start()

            @pl.loop(0, NCHUNK // 2)
            def _pair(p):
                ci = p * 2
                _copy(ci, stage_a, sem_a).wait()
                _copy(ci + 1, stage_b, sem_b).start()
                _scan(stage_a)
                _copy(ci + 1, stage_b, sem_b).wait()

                @pl.when(ci + 2 < NCHUNK)
                def _next():
                    _copy(ci + 2, stage_a, sem_a).start()

                _scan(stage_b)

            igx = po.astype(jnp.float32) * jnp.float32(0.01)

            @pl.loop(0, CELLS // FIN)
            def _fin(fc):
                cbase = fc * FIN

                @pl.loop(0, FIN // L, unroll=5)
                def _fgroup(fg):
                    co = cbase + fg * L
                    zero = jnp.zeros((L,), jnp.float32)
                    cnt = acc[pl.ds(6 * CELLS + co, L)]
                    inv = ones / jnp.maximum(cnt, ones)
                    occ = jnp.minimum(cnt, ones)
                    cellv = lanes + co
                    yq = cellv // VS
                    zq = cellv - yq * VS
                    igy = yq.astype(jnp.float32) * jnp.float32(0.01)
                    igz = zq.astype(jnp.float32) * jnp.float32(0.01)
                    base_idx = (cellv - cbase) * OUT_CH
                    for c in range(6):
                        s = acc[pl.ds(c * CELLS + co, L)]
                        acc[pl.ds(c * CELLS + co, L)] = zero
                        plsc.store_scatter(outbuf, [base_idx + c], s * inv)
                    acc[pl.ds(6 * CELLS + co, L)] = zero
                    plsc.store_scatter(outbuf, [base_idx + 6],
                                       jnp.full((L,), igx, jnp.float32))
                    plsc.store_scatter(outbuf, [base_idx + 7], igy)
                    plsc.store_scatter(outbuf, [base_idx + 8], igz)
                    plsc.store_scatter(outbuf, [base_idx + 9], occ)

                pltpu.sync_copy(
                    outbuf,
                    out_hbm.at[pl.ds(t * (CELLS * OUT_CH) + fc * FROWS, FROWS)])


@jax.jit
def _voxelize(pts):
    mesh = plsc.VectorSubcoreMesh(core_axis_name="c", subcore_axis_name="s")
    f = pl.kernel(
        _sc_body,
        out_type=jax.ShapeDtypeStruct((NTASK * CELLS * OUT_CH,), jnp.float32),
        mesh=mesh,
        scratch_types=[
            pltpu.VMEM((PROW,), jnp.float32),
            pltpu.VMEM((PROW,), jnp.float32),
            pltpu.VMEM((ACC,), jnp.float32),
            pltpu.VMEM((FROWS,), jnp.float32),
            pltpu.SemaphoreType.DMA,
            pltpu.SemaphoreType.DMA,
        ],
        compiler_params=pltpu.CompilerParams(needs_layout_passes=False),
    )
    return f(pts)


def kernel(coords, coord_features):
    pts = jnp.concatenate([coords, coord_features], axis=-1)
    pts = pts.reshape(B, NCHUNK, CHUNK, 6).transpose(0, 1, 3, 2)
    pts = pts.reshape(B * NCHUNK * PROW)
    out = _voxelize(pts)
    return out.reshape(B, VS, VS, VS, OUT_CH)

# --- scband reference (transcript-rebuilt; emitter-appended) ---
"""Pipeline reference for scband-voxel-grid-26491358282267 (READ-ONLY COPY).

The authoritative reference and input builder live on the scoring server;
editing this copy changes nothing except your own understanding.
"""

import jax, jax.numpy as jnp
import numpy as np

B = 4
N = 65536
VS = 100            # voxel_size
FS = 3              # feature_size
VFS = 4 + FS        # voxel feature size = 7
D = VS + 2          # padded dims = 102
MIN_DEN = 1e-12
COORD_BOUNDS = jnp.array([[-1.0, -1.0, -1.0, 1.0, 1.0, 1.0]], dtype=jnp.float32)


def setup_inputs(seed: int = 0) -> dict:
    key = jax.random.key(seed)
    k1, k2 = jax.random.split(key)
    coords = jax.random.normal(k1, (B, N, 3), dtype=jnp.float32)
    coord_features = jax.random.normal(k2, (B, N, FS), dtype=jnp.float32)
    return {"coords": coords, "coord_features": coord_features}


def reference(coords, coord_features):
    # bounds / resolution (mirrors torch init + coords_to_bounding_voxel_grid)
    bb_mins = COORD_BOUNDS[..., 0:3]
    bb_maxs = COORD_BOUNDS[..., 3:6]
    bb_ranges = bb_maxs - bb_mins
    res = bb_ranges / (float(VS) + MIN_DEN)
    denom = res + MIN_DEN
    bb_mins_shifted = bb_mins - res

    # voxel indices (int cast -> non-differentiable, matches torch .int())
    flr = jnp.floor((coords - bb_mins_shifted[:, None]) / denom[:, None]).astype(jnp.int32)
    voxel_indices = jnp.clip(flr, 0, D - 1)

    voxel_values = jnp.concatenate([coords, coord_features], -1)
    batch_idx = jnp.broadcast_to(jnp.arange(B, dtype=jnp.int32).reshape(B, 1, 1), (B, N, 1))
    all_indices = jnp.concatenate([batch_idx, voxel_indices], -1).reshape(-1, 4)
    ones = jnp.ones((B, N, 1), dtype=coords.dtype)
    updates = jnp.concatenate([voxel_values, ones], -1).reshape(-1, VFS)

    # scatter_nd with mean reduction over flat buffer [B, D, D, D, VFS]
    scales = jnp.array([D * D * D * VFS, D * D * VFS, D * VFS, VFS], dtype=jnp.int32)
    base = (all_indices * scales[None, :]).sum(-1, keepdims=True)
    flat_idx = (base + jnp.arange(VFS, dtype=jnp.int32)[None, :]).reshape(-1)
    flat_size = B * D * D * D * VFS
    flat_updates = updates.reshape(-1)
    sums = jnp.zeros((flat_size,), dtype=coords.dtype).at[flat_idx].add(flat_updates)
    counts = jnp.zeros((flat_size,), dtype=coords.dtype).at[flat_idx].add(jnp.ones_like(flat_updates))
    counts = jnp.maximum(counts, 1.0)
    scattered = (sums / counts).reshape(B, D, D, D, VFS)

    vox = scattered[:, 1:-1, 1:-1, 1:-1]
    occupied = (vox[..., -1:] > 0).astype(coords.dtype)
    vox = jnp.concatenate([vox[..., :-1], occupied], -1)

    a = jnp.arange(D, dtype=coords.dtype)
    gx, gy, gz = jnp.meshgrid(a, a, a, indexing='ij')
    index_grid = jnp.broadcast_to(jnp.stack([gx, gy, gz], -1)[None], (B, D, D, D, 3))
    ig = index_grid[:, :-2, :-2, :-2] / float(VS)
    return jnp.concatenate([vox[..., :-1], ig, vox[..., -1:]], -1)

if __name__ == "__main__":
    import jax
    _d = setup_inputs()
    print(jax.jit(kernel)(*tuple(_d.values())))

</pallas_src>

<mosaic_0001>
#map = affine_map<(d0, d1) -> (0)>
module attributes {stable_mosaic.version = 14 : i64} {
  func.func @_sc_body(%arg0: i32, %arg1: i32, %arg2: memref<1572864xf32, #tpu.memory_space<hbm>>, %arg3: memref<40000000xf32, #tpu.memory_space<hbm>>, %arg4: memref<12288xf32, #tpu.memory_space<vmem>>, %arg5: memref<12288xf32, #tpu.memory_space<vmem>>, %arg6: memref<70000xf32, #tpu.memory_space<vmem>>, %arg7: memref<20000xf32, #tpu.memory_space<vmem>>, %arg8: memref<!tpu.dma_semaphore, #tpu.memory_space<semaphore_mem>>, %arg9: memref<!tpu.dma_semaphore, #tpu.memory_space<semaphore_mem>>) attributes {dimension_semantics = [#tpu.dimension_semantics<core_parallel>, #tpu.dimension_semantics<subcore_parallel>], iteration_bounds = array<i64: 2, 16>, scalar_prefetch = 0 : i64, scratch_operands = 6 : i64, tpu.core_type = #tpu.core_type<sc_vector_subcore>, window_params = [{transform_indices = #map}, {transform_indices = #map}]} {
    %mul3A = arith.constant 2 : i32
    %mul3A_0 = arith.muli %arg1, %mul3A : i32
    %add3A = arith.addi %mul3A_0, %arg0 : i32
    %iota3A = tpu.iota {dimensions = array<i32: 0>} : vector<16xi32>
    %broadcast_in_dim3A = arith.constant 1.000000e+00 : f32
    %broadcast_in_dim3A_1 = vector.broadcast %broadcast_in_dim3A : f32 to vector<16xf32>
    %scan3A = arith.constant 0 : i32
    %scan3A_2 = arith.constant 4375 : i32
    %scan3A_3 = arith.addi %scan3A, %scan3A_2 : i32
    %scan3A_4 = arith.constant 1 : i32
    scf.for %scan3A_11 = %scan3A to %scan3A_3 step %scan3A_4  : i32 {
      %mul3A_12 = arith.constant 1 : i32
      %mul3A_13 = arith.muli %scan3A_11, %mul3A_12 : i32
      %add3A_14 = arith.constant 0 : i32
      %add3A_15 = arith.addi %add3A_14, %mul3A_13 : i32
      %broadcast_in_dim3A_16 = arith.constant 0.000000e+00 : f32
      %broadcast_in_dim3A_17 = vector.broadcast %broadcast_in_dim3A_16 : f32 to vector<16xf32>
      %mul3A_18 = arith.constant 16 : i32
      %mul3A_19 = arith.muli %add3A_15, %mul3A_18 : i32
      %swap3A = arith.index_cast %mul3A_19 : i32 to index
      %swap3A_20 = tpu.vector_load %arg6[%swap3A] {strides = array<i32>} : memref<70000xf32, #tpu.memory_space<vmem>>, vector<16xf32>,
      tpu.vector_store %arg6[%swap3A], %broadcast_in_dim3A_17 {strides = array<i32>} : memref<70000xf32, #tpu.memory_space<vmem>>, vector<16xf32>,
    }
    %scan3A_5 = arith.constant 4375 : i32
    %scan3A_6 = arith.constant 0 : i32
    %scan3A_7 = arith.constant 13 : i32
    %scan3A_8 = arith.addi %scan3A_6, %scan3A_7 : i32
    %scan3A_9 = arith.constant 1 : i32
    scf.for %scan3A_11 = %scan3A_6 to %scan3A_8 step %scan3A_9  : i32 {
      %mul3A_12 = arith.constant 1 : i32
      %mul3A_13 = arith.muli %scan3A_11, %mul3A_12 : i32
      %add3A_14 = arith.constant 0 : i32
      %add3A_15 = arith.addi %add3A_14, %mul3A_13 : i32
      %mul3A_16 = arith.constant 32 : i32
      %mul3A_17 = arith.muli %add3A_15, %mul3A_16 : i32
      %add3A_18 = arith.addi %add3A, %mul3A_17 : i32
      %lt3A = arith.constant 400 : i32
      %lt3A_19 = arith.cmpi slt, %add3A_18, %lt3A : i32
      %convert_element_type3A = arith.extui %lt3A_19 : i1 to i32
      %cond3A = arith.constant 0 : i32
      %cond3A_20 = arith.cmpi ne, %convert_element_type3A, %cond3A : i32
      scf.if %cond3A_20 {
        %jit3A = arith.constant 100 : i32
        %div3A = arith.divsi %add3A_18, %jit3A : i32
        %sign3A = arith.constant 0 : i32
        %sign3A_21 = arith.cmpi sgt, %add3A_18, %sign3A : i32
        %sign3A_22 = arith.extui %sign3A_21 : i1 to i32
        %sign3A_23 = arith.constant 0 : i32
        %sign3A_24 = arith.cmpi slt, %add3A_18, %sign3A_23 : i32
        %sign3A_25 = arith.extui %sign3A_24 : i1 to i32
        %sign3A_26 = arith.subi %sign3A_22, %sign3A_25 : i32
        %sign3A_27 = arith.constant 0 : i32
        %sign3A_28 = arith.cmpi sgt, %jit3A, %sign3A_27 : i32
        %sign3A_29 = arith.extui %sign3A_28 : i1 to i32
        %sign3A_30 = arith.constant 0 : i32
        %sign3A_31 = arith.cmpi slt, %jit3A, %sign3A_30 : i32
        %sign3A_32 = arith.extui %sign3A_31 : i1 to i32
        %sign3A_33 = arith.subi %sign3A_29, %sign3A_32 : i32
        %ne3A = arith.cmpi ne, %sign3A_26, %sign3A_33 : i32
        %rem3A = arith.remsi %add3A_18, %jit3A : i32
        %ne3A_34 = arith.constant 0 : i32
        %ne3A_35 = arith.cmpi ne, %rem3A, %ne3A_34 : i32
        %and3A = arith.andi %ne3A, %ne3A_35 : i1
        %sub3A = arith.constant 1 : i32
        %sub3A_36 = arith.subi %div3A, %sub3A : i32
        %select_n3A = arith.select %and3A, %sub3A_36, %div3A : i32
        %jit3A_37 = arith.constant 100 : i32
        %eq3A = arith.constant 0 : i32
        %eq3A_38 = arith.cmpi eq, %jit3A_37, %eq3A : i32
        %jit3A_39 = arith.constant 1 : i32
        %select_n3A_40 = arith.select %eq3A_38, %jit3A_39, %jit3A_37 : i32
        %rem3A_41 = arith.remsi %add3A_18, %select_n3A_40 : i32
        %ne3A_42 = arith.constant 0 : i32
        %ne3A_43 = arith.cmpi ne, %rem3A_41, %ne3A_42 : i32
        %lt3A_44 = arith.constant 0 : i32
        %lt3A_45 = arith.cmpi slt, %rem3A_41, %lt3A_44 : i32
        %lt3A_46 = arith.constant 0 : i32
        %lt3A_47 = arith.cmpi slt, %select_n3A_40, %lt3A_46 : i32
        %ne3A_48 = arith.xori %lt3A_45, %lt3A_47 : i1
        %and3A_49 = arith.andi %ne3A_48, %ne3A_43 : i1
        %add3A_50 = arith.addi %rem3A_41, %select_n3A_40 : i32
        %select_n3A_51 = arith.select %and3A_49, %add3A_50, %rem3A_41 : i32
        %add3A_52 = arith.constant 1 : i32
        %add3A_53 = arith.addi %select_n3A_51, %add3A_52 : i32
        %mul3A_54 = arith.constant 32 : i32
        %mul3A_55 = arith.muli %select_n3A, %mul3A_54 : i32
        %add3A_56 = arith.constant 0 : i32
        %add3A_57 = arith.addi %mul3A_55, %add3A_56 : i32
        %mul3A_58 = arith.constant 12288 : i32
        %mul3A_59 = arith.muli %add3A_57, %mul3A_58 : i32
        %dma_start3A = tpu.memref_slice %arg2[%mul3A_59] : memref<1572864xf32, #tpu.memory_space<hbm>> -> memref<12288xf32, #tpu.memory_space<hbm>>
        %dma_start3A_60 = tpu.memref_slice %arg2[%mul3A_59] : memref<1572864xf32, #tpu.memory_space<hbm>> -> memref<12288xf32, #tpu.memory_space<hbm>>
        tpu.enqueue_dma source(%dma_start3A_60 : memref<12288xf32, #tpu.memory_space<hbm>>) target(%arg4 : memref<12288xf32, #tpu.memory_space<vmem>>) target_semaphore(%arg8 : memref<!tpu.dma_semaphore, #tpu.memory_space<semaphore_mem>>)
        %scan3A_61 = arith.constant 0 : i32
        %scan3A_62 = arith.constant 16 : i32
        %scan3A_63 = arith.addi %scan3A_61, %scan3A_62 : i32
        %scan3A_64 = arith.constant 1 : i32
        scf.for %scan3A_74 = %scan3A_61 to %scan3A_63 step %scan3A_64  : i32 {
          %mul3A_75 = arith.constant 1 : i32
          %mul3A_76 = arith.muli %scan3A_74, %mul3A_75 : i32
          %add3A_77 = arith.constant 0 : i32
          %add3A_78 = arith.addi %add3A_77, %mul3A_76 : i32
          %mul3A_79 = arith.constant 2 : i32
          %mul3A_80 = arith.muli %add3A_78, %mul3A_79 : i32
          %mul3A_81 = arith.constant 32 : i32
          %mul3A_82 = arith.muli %select_n3A, %mul3A_81 : i32
          %add3A_83 = arith.addi %mul3A_82, %mul3A_80 : i32
          %mul3A_84 = arith.constant 12288 : i32
          %mul3A_85 = arith.muli %add3A_83, %mul3A_84 : i32
          %dma_wait3A = tpu.memref_slice %arg2[%mul3A_85] : memref<1572864xf32, #tpu.memory_space<hbm>> -> memref<12288xf32, #tpu.memory_space<hbm>>
          %dma_wait3A_86 = tpu.memref_slice %arg2[%mul3A_85] : memref<1572864xf32, #tpu.memory_space<hbm>> -> memref<12288xf32, #tpu.memory_space<hbm>>
          tpu.wait_dma2 semaphore(%arg8 : memref<!tpu.dma_semaphore, #tpu.memory_space<semaphore_mem>>) src(%dma_wait3A_86 : memref<12288xf32, #tpu.memory_space<hbm>>) dst(%arg4 : memref<12288xf32, #tpu.memory_space<vmem>>)
          %add3A_87 = arith.constant 1 : i32
          %add3A_88 = arith.addi %mul3A_80, %add3A_87 : i32
          %mul3A_89 = arith.constant 32 : i32
          %mul3A_90 = arith.muli %select_n3A, %mul3A_89 : i32
          %add3A_91 = arith.addi %mul3A_90, %add3A_88 : i32
          %mul3A_92 = arith.constant 12288 : i32
          %mul3A_93 = arith.muli %add3A_91, %mul3A_92 : i32
          %dma_start3A_94 = tpu.memref_slice %arg2[%mul3A_93] : memref<1572864xf32, #tpu.memory_space<hbm>> -> memref<12288xf32, #tpu.memory_space<hbm>>
          %dma_start3A_95 = tpu.memref_slice %arg2[%mul3A_93] : memref<1572864xf32, #tpu.memory_space<hbm>> -> memref<12288xf32, #tpu.memory_space<hbm>>
          tpu.enqueue_dma source(%dma_start3A_95 : memref<12288xf32, #tpu.memory_space<hbm>>) target(%arg5 : memref<12288xf32, #tpu.memory_space<vmem>>) target_semaphore(%arg9 : memref<!tpu.dma_semaphore, #tpu.memory_space<semaphore_mem>>)
          %scan3A_96 = arith.constant 0 : i32
          %scan3A_97 = arith.constant 128 : i32
          %scan3A_98 = arith.addi %scan3A_96, %scan3A_97 : i32
          %scan3A_99 = arith.constant 1 : i32
          scf.for %scan3A_122 = %scan3A_96 to %scan3A_98 step %scan3A_99  : i32 {
            %mul3A_123 = arith.constant 1 : i32
            %mul3A_124 = arith.muli %scan3A_122, %mul3A_123 : i32
            %add3A_125 = arith.constant 0 : i32
            %add3A_126 = arith.addi %add3A_125, %mul3A_124 : i32
            %mul3A_127 = arith.constant 16 : i32
            %mul3A_128 = arith.muli %add3A_126, %mul3A_127 : i32
            %get3A = arith.index_cast %mul3A_128 : i32 to index
            %get3A_129 = tpu.vector_load %arg4[%get3A] {strides = array<i32>} : memref<12288xf32, #tpu.memory_space<vmem>>, vector<16xf32>,
            %sub3A_130 = arith.constant -1.020000e+00 : f32
            %sub3A_131 = vector.broadcast %sub3A_130 : f32 to vector<16xf32>
            %sub3A_132 = arith.subf %get3A_129, %sub3A_131 : vector<16xf32>
            %div3A_133 = arith.constant 2.000000e-02 : f32
            %div3A_134 = vector.broadcast %div3A_133 : f32 to vector<16xf32>
            %div3A_135 = arith.divf %sub3A_132, %div3A_134 : vector<16xf32>
            %convert_element_type3A_136 = arith.fptosi %div3A_135 : vector<16xf32> to vector<16xi32>
            %eq3A_137 = vector.broadcast %add3A_53 : i32 to vector<16xi32>
            %eq3A_138 = arith.cmpi eq, %convert_element_type3A_136, %eq3A_137 : vector<16xi32>
            %reduce_or3A = arith.constant 1.000000e+00 : f32
            %reduce_or3A_139 = arith.constant 0.000000e+00 : f32
            %reduce_or3A_140 = vector.broadcast %reduce_or3A : f32 to vector<16xf32>
            %reduce_or3A_141 = vector.broadcast %reduce_or3A_139 : f32 to vector<16xf32>
            %reduce_or3A_142 = arith.select %eq3A_138, %reduce_or3A_140, %reduce_or3A_141 : vector<16xi1>, vector<16xf32>
            %reduce_or3A_143 = arith.constant true
            %reduce_or3A_144 = vector.broadcast %reduce_or3A_143 : i1 to vector<16xi1>
            %reduce_or3A_145 = tpu.scan <max>, %reduce_or3A_142 masked %reduce_or3A_144 : vector<16xf32>, vector<16xi1> -> vector<16xf32>
            %reduce_or3A_146 = vector.extract %reduce_or3A_145[15] : f32 from vector<16xf32>
            %reduce_or3A_147 = arith.constant 0.000000e+00 : f32
            %reduce_or3A_148 = arith.cmpf ogt, %reduce_or3A_146, %reduce_or3A_147 : f32
            %convert_element_type3A_149 = arith.extui %reduce_or3A_148 : i1 to i32
            %cond3A_150 = arith.constant 0 : i32
            %cond3A_151 = arith.cmpi ne, %convert_element_type3A_149, %cond3A_150 : i32
            scf.if %cond3A_151 {
              %add3A_152 = arith.constant 2048 : i32
              %add3A_153 = arith.addi %add3A_152, %mul3A_128 : i32
              %get3A_154 = arith.index_cast %add3A_153 : i32 to index
              %get3A_155 = tpu.vector_load %arg4[%get3A_154] {strides = array<i32>} : memref<12288xf32, #tpu.memory_space<vmem>>, vector<16xf32>,
              %add3A_156 = arith.constant 4096 : i32
              %add3A_157 = arith.addi %add3A_156, %mul3A_128 : i32
              %get3A_158 = arith.index_cast %add3A_157 : i32 to index
              %get3A_159 = tpu.vector_load %arg4[%get3A_158] {strides = array<i32>} : memref<12288xf32, #tpu.memory_space<vmem>>, vector<16xf32>,
              %add3A_160 = arith.constant 6144 : i32
              %add3A_161 = arith.addi %add3A_160, %mul3A_128 : i32
              %get3A_162 = arith.index_cast %add3A_161 : i32 to index
              %get3A_163 = tpu.vector_load %arg4[%get3A_162] {strides = array<i32>} : memref<12288xf32, #tpu.memory_space<vmem>>, vector<16xf32>,
              %add3A_164 = arith.constant 8192 : i32
              %add3A_165 = arith.addi %add3A_164, %mul3A_128 : i32
              %get3A_166 = arith.index_cast %add3A_165 : i32 to index
              %get3A_167 = tpu.vector_load %arg4[%get3A_166] {strides = array<i32>} : memref<12288xf32, #tpu.memory_space<vmem>>, vector<16xf32>,
              %add3A_168 = arith.constant 10240 : i32
              %add3A_169 = arith.addi %add3A_168, %mul3A_128 : i32
              %get3A_170 = arith.index_cast %add3A_169 : i32 to index
              %get3A_171 = tpu.vector_load %arg4[%get3A_170] {strides = array<i32>} : memref<12288xf32, #tpu.memory_space<vmem>>, vector<16xf32>,
              %sub3A_172 = arith.constant -1.020000e+00 : f32
              %sub3A_173 = vector.broadcast %sub3A_172 : f32 to vector<16xf32>
              %sub3A_174 = arith.subf %get3A_155, %sub3A_173 : vector<16xf32>
              %div3A_175 = arith.constant 2.000000e-02 : f32
              %div3A_176 = vector.broadcast %div3A_175 : f32 to vector<16xf32>
              %div3A_177 = arith.divf %sub3A_174, %div3A_176 : vector<16xf32>
              %convert_element_type3A_178 = arith.fptosi %div3A_177 : vector<16xf32> to vector<16xi32>
              %sub3A_179 = arith.constant -1.020000e+00 : f32
              %sub3A_180 = vector.broadcast %sub3A_179 : f32 to vector<16xf32>
              %sub3A_181 = arith.subf %get3A_159, %sub3A_180 : vector<16xf32>
              %div3A_182 = arith.constant 2.000000e-02 : f32
              %div3A_183 = vector.broadcast %div3A_182 : f32 to vector<16xf32>
              %div3A_184 = arith.divf %sub3A_181, %div3A_183 : vector<16xf32>
              %convert_element_type3A_185 = arith.fptosi %div3A_184 : vector<16xf32> to vector<16xi32>
              %ge3A = arith.constant 1 : i32
              %ge3A_186 = vector.broadcast %ge3A : i32 to vector<16xi32>
              %ge3A_187 = arith.cmpi sge, %convert_element_type3A_178, %ge3A_186 : vector<16xi32>
              %and3A_188 = arith.andi %eq3A_138, %ge3A_187 : vector<16xi1>
              %le3A = arith.constant 100 : i32
              %le3A_189 = vector.broadcast %le3A : i32 to vector<16xi32>
              %le3A_190 = arith.cmpi sle, %convert_element_type3A_178, %le3A_189 : vector<16xi32>
              %and3A_191 = arith.andi %and3A_188, %le3A_190 : vector<16xi1>
              %ge3A_192 = arith.constant 1 : i32
              %ge3A_193 = vector.broadcast %ge3A_192 : i32 to vector<16xi32>
              %ge3A_194 = arith.cmpi sge, %convert_element_type3A_185, %ge3A_193 : vector<16xi32>
              %and3A_195 = arith.andi %and3A_191, %ge3A_194 : vector<16xi1>
              %le3A_196 = arith.constant 100 : i32
              %le3A_197 = vector.broadcast %le3A_196 : i32 to vector<16xi32>
              %le3A_198 = arith.cmpi sle, %convert_element_type3A_185, %le3A_197 : vector<16xi32>
              %and3A_199 = arith.andi %and3A_195, %le3A_198 : vector<16xi1>
              %sub3A_200 = arith.constant 1 : i32
              %sub3A_201 = vector.broadcast %sub3A_200 : i32 to vector<16xi32>
              %sub3A_202 = arith.subi %convert_element_type3A_178, %sub3A_201 : vector<16xi32>
              %mul3A_203 = arith.constant 100 : i32
              %mul3A_204 = vector.broadcast %mul3A_203 : i32 to vector<16xi32>
              %mul3A_205 = arith.muli %sub3A_202, %mul3A_204 : vector<16xi32>
              %sub3A_206 = arith.constant 1 : i32
              %sub3A_207 = vector.broadcast %sub3A_206 : i32 to vector<16xi32>
              %sub3A_208 = arith.subi %convert_element_type3A_185, %sub3A_207 : vector<16xi32>
              %add3A_209 = arith.addi %mul3A_205, %sub3A_208 : vector<16xi32>
              %max3A = arith.constant 0 : i32
              %max3A_210 = vector.broadcast %max3A : i32 to vector<16xi32>
              %max3A_211 = arith.maxsi %add3A_209, %max3A_210 : vector<16xi32>
              %min3A = arith.constant 9999 : i32
              %min3A_212 = vector.broadcast %min3A : i32 to vector<16xi32>
              %min3A_213 = arith.minsi %max3A_211, %min3A_212 : vector<16xi32>
              tpu.vector_store_idx %arg6[%min3A_213], %get3A_129 masked %and3A_199 {add = true} : memref<70000xf32, #tpu.memory_space<vmem>>[vector<16xi32>], vector<16xf32>, vector<16xi1>
              %add3A_214 = arith.constant 10000 : i32
              %add3A_215 = vector.broadcast %add3A_214 : i32 to vector<16xi32>
              %add3A_216 = arith.addi %min3A_213, %add3A_215 : vector<16xi32>
              tpu.vector_store_idx %arg6[%add3A_216], %get3A_155 masked %and3A_199 {add = true} : memref<70000xf32, #tpu.memory_space<vmem>>[vector<16xi32>], vector<16xf32>, vector<16xi1>
              %add3A_217 = arith.constant 20000 : i32
              %add3A_218 = vector.broadcast %add3A_217 : i32 to vector<16xi32>
              %add3A_219 = arith.addi %min3A_213, %add3A_218 : vector<16xi32>
              tpu.vector_store_idx %arg6[%add3A_219], %get3A_159 masked %and3A_199 {add = true} : memref<70000xf32, #tpu.memory_space<vmem>>[vector<16xi32>], vector<16xf32>, vector<16xi1>
              %add3A_220 = arith.constant 30000 : i32
              %add3A_221 = vector.broadcast %add3A_220 : i32 to vector<16xi32>
              %add3A_222 = arith.addi %min3A_213, %add3A_221 : vector<16xi32>
              tpu.vector_store_idx %arg6[%add3A_222], %get3A_163 masked %and3A_199 {add = true} : memref<70000xf32, #tpu.memory_space<vmem>>[vector<16xi32>], vector<16xf32>, vector<16xi1>
              %add3A_223 = arith.constant 40000 : i32
              %add3A_224 = vector.broadcast %add3A_223 : i32 to vector<16xi32>
              %add3A_225 = arith.addi %min3A_213, %add3A_224 : vector<16xi32>
              tpu.vector_store_idx %arg6[%add3A_225], %get3A_167 masked %and3A_199 {add = true} : memref<70000xf32, #tpu.memory_space<vmem>>[vector<16xi32>], vector<16xf32>, vector<16xi1>
              %add3A_226 = arith.constant 50000 : i32
              %add3A_227 = vector.broadcast %add3A_226 : i32 to vector<16xi32>
              %add3A_228 = arith.addi %min3A_213, %add3A_227 : vector<16xi32>
              tpu.vector_store_idx %arg6[%add3A_228], %get3A_171 masked %and3A_199 {add = true} : memref<70000xf32, #tpu.memory_space<vmem>>[vector<16xi32>], vector<16xf32>, vector<16xi1>
              %add3A_229 = arith.constant 60000 : i32
              %add3A_230 = vector.broadcast %add3A_229 : i32 to vector<16xi32>
              %add3A_231 = arith.addi %min3A_213, %add3A_230 : vector<16xi32>
              tpu.vector_store_idx %arg6[%add3A_231], %broadcast_in_dim3A_1 masked %and3A_199 {add = true} : memref<70000xf32, #tpu.memory_space<vmem>>[vector<16xi32>], vector<16xf32>, vector<16xi1>
            } else {
            }
          }
          %scan3A_100 = arith.constant 128 : i32
          %add3A_101 = arith.constant 1 : i32
          %add3A_102 = arith.addi %mul3A_80, %add3A_101 : i32
          %mul3A_103 = arith.constant 32 : i32
          %mul3A_104 = arith.muli %select_n3A, %mul3A_103 : i32
          %add3A_105 = arith.addi %mul3A_104, %add3A_102 : i32
          %mul3A_106 = arith.constant 12288 : i32
          %mul3A_107 = arith.muli %add3A_105, %mul3A_106 : i32
          %dma_wait3A_108 = tpu.memref_slice %arg2[%mul3A_107] : memref<1572864xf32, #tpu.memory_space<hbm>> -> memref<12288xf32, #tpu.memory_space<hbm>>
          %dma_wait3A_109 = tpu.memref_slice %arg2[%mul3A_107] : memref<1572864xf32, #tpu.memory_space<hbm>> -> memref<12288xf32, #tpu.memory_space<hbm>>
          tpu.wait_dma2 semaphore(%arg9 : memref<!tpu.dma_semaphore, #tpu.memory_space<semaphore_mem>>) src(%dma_wait3A_109 : memref<12288xf32, #tpu.memory_space<hbm>>) dst(%arg5 : memref<12288xf32, #tpu.memory_space<vmem>>)
          %add3A_110 = arith.constant 2 : i32
          %add3A_111 = arith.addi %mul3A_80, %add3A_110 : i32
          %lt3A_112 = arith.constant 32 : i32
          %lt3A_113 = arith.cmpi slt, %add3A_111, %lt3A_112 : i32
          %convert_element_type3A_114 = arith.extui %lt3A_113 : i1 to i32
          %cond3A_115 = arith.constant 0 : i32
          %cond3A_116 = arith.cmpi ne, %convert_element_type3A_114, %cond3A_115 : i32
          scf.if %cond3A_116 {
            %add3A_122 = arith.constant 2 : i32
            %add3A_123 = arith.addi %mul3A_80, %add3A_122 : i32
            %mul3A_124 = arith.constant 32 : i32
            %mul3A_125 = arith.muli %select_n3A, %mul3A_124 : i32
            %add3A_126 = arith.addi %mul3A_125, %add3A_123 : i32
            %mul3A_127 = arith.constant 12288 : i32
            %mul3A_128 = arith.muli %add3A_126, %mul3A_127 : i32
            %dma_start3A_129 = tpu.memref_slice %arg2[%mul3A_128] : memref<1572864xf32, #tpu.memory_space<hbm>> -> memref<12288xf32, #tpu.memory_space<hbm>>
            %dma_start3A_130 = tpu.memref_slice %arg2[%mul3A_128] : memref<1572864xf32, #tpu.memory_space<hbm>> -> memref<12288xf32, #tpu.memory_space<hbm>>
            tpu.enqueue_dma source(%dma_start3A_130 : memref<12288xf32, #tpu.memory_space<hbm>>) target(%arg4 : memref<12288xf32, #tpu.memory_space<vmem>>) target_semaphore(%arg8 : memref<!tpu.dma_semaphore, #tpu.memory_space<semaphore_mem>>)
          } else {
          }
          %scan3A_117 = arith.constant 0 : i32
          %scan3A_118 = arith.constant 128 : i32
          %scan3A_119 = arith.addi %scan3A_117, %scan3A_118 : i32
          %scan3A_120 = arith.constant 1 : i32
          scf.for %scan3A_122 = %scan3A_117 to %scan3A_119 step %scan3A_120  : i32 {
            %mul3A_123 = arith.constant 1 : i32
            %mul3A_124 = arith.muli %scan3A_122, %mul3A_123 : i32
            %add3A_125 = arith.constant 0 : i32
            %add3A_126 = arith.addi %add3A_125, %mul3A_124 : i32
            %mul3A_127 = arith.constant 16 : i32
            %mul3A_128 = arith.muli %add3A_126, %mul3A_127 : i32
            %get3A = arith.index_cast %mul3A_128 : i32 to index
            %get3A_129 = tpu.vector_load %arg5[%get3A] {strides = array<i32>} : memref<12288xf32, #tpu.memory_space<vmem>>, vector<16xf32>,
            %sub3A_130 = arith.constant -1.020000e+00 : f32
            %sub3A_131 = vector.broadcast %sub3A_130 : f32 to vector<16xf32>
            %sub3A_132 = arith.subf %get3A_129, %sub3A_131 : vector<16xf32>
            %div3A_133 = arith.constant 2.000000e-02 : f32
            %div3A_134 = vector.broadcast %div3A_133 : f32 to vector<16xf32>
            %div3A_135 = arith.divf %sub3A_132, %div3A_134 : vector<16xf32>
            %convert_element_type3A_136 = arith.fptosi %div3A_135 : vector<16xf32> to vector<16xi32>
            %eq3A_137 = vector.broadcast %add3A_53 : i32 to vector<16xi32>
            %eq3A_138 = arith.cmpi eq, %convert_element_type3A_136, %eq3A_137 : vector<16xi32>
            %reduce_or3A = arith.constant 1.000000e+00 : f32
            %reduce_or3A_139 = arith.constant 0.000000e+00 : f32
            %reduce_or3A_140 = vector.broadcast %reduce_or3A : f32 to vector<16xf32>
            %reduce_or3A_141 = vector.broadcast %reduce_or3A_139 : f32 to vector<16xf32>
            %reduce_or3A_142 = arith.select %eq3A_138, %reduce_or3A_140, %reduce_or3A_141 : vector<16xi1>, vector<16xf32>
            %reduce_or3A_143 = arith.constant true
            %reduce_or3A_144 = vector.broadcast %reduce_or3A_143 : i1 to vector<16xi1>
            %reduce_or3A_145 = tpu.scan <max>, %reduce_or3A_142 masked %reduce_or3A_144 : vector<16xf32>, vector<16xi1> -> vector<16xf32>
            %reduce_or3A_146 = vector.extract %reduce_or3A_145[15] : f32 from vector<16xf32>
            %reduce_or3A_147 = arith.constant 0.000000e+00 : f32
            %reduce_or3A_148 = arith.cmpf ogt, %reduce_or3A_146, %reduce_or3A_147 : f32
            %convert_element_type3A_149 = arith.extui %reduce_or3A_148 : i1 to i32
            %cond3A_150 = arith.constant 0 : i32
            %cond3A_151 = arith.cmpi ne, %convert_element_type3A_149, %cond3A_150 : i32
            scf.if %cond3A_151 {
              %add3A_152 = arith.constant 2048 : i32
              %add3A_153 = arith.addi %add3A_152, %mul3A_128 : i32
              %get3A_154 = arith.index_cast %add3A_153 : i32 to index
              %get3A_155 = tpu.vector_load %arg5[%get3A_154] {strides = array<i32>} : memref<12288xf32, #tpu.memory_space<vmem>>, vector<16xf32>,
              %add3A_156 = arith.constant 4096 : i32
              %add3A_157 = arith.addi %add3A_156, %mul3A_128 : i32
              %get3A_158 = arith.index_cast %add3A_157 : i32 to index
              %get3A_159 = tpu.vector_load %arg5[%get3A_158] {strides = array<i32>} : memref<12288xf32, #tpu.memory_space<vmem>>, vector<16xf32>,
              %add3A_160 = arith.constant 6144 : i32
              %add3A_161 = arith.addi %add3A_160, %mul3A_128 : i32
              %get3A_162 = arith.index_cast %add3A_161 : i32 to index
              %get3A_163 = tpu.vector_load %arg5[%get3A_162] {strides = array<i32>} : memref<12288xf32, #tpu.memory_space<vmem>>, vector<16xf32>,
              %add3A_164 = arith.constant 8192 : i32
              %add3A_165 = arith.addi %add3A_164, %mul3A_128 : i32
              %get3A_166 = arith.index_cast %add3A_165 : i32 to index
              %get3A_167 = tpu.vector_load %arg5[%get3A_166] {strides = array<i32>} : memref<12288xf32, #tpu.memory_space<vmem>>, vector<16xf32>,
              %add3A_168 = arith.constant 10240 : i32
              %add3A_169 = arith.addi %add3A_168, %mul3A_128 : i32
              %get3A_170 = arith.index_cast %add3A_169 : i32 to index
              %get3A_171 = tpu.vector_load %arg5[%get3A_170] {strides = array<i32>} : memref<12288xf32, #tpu.memory_space<vmem>>, vector<16xf32>,
              %sub3A_172 = arith.constant -1.020000e+00 : f32
              %sub3A_173 = vector.broadcast %sub3A_172 : f32 to vector<16xf32>
              %sub3A_174 = arith.subf %get3A_155, %sub3A_173 : vector<16xf32>
              %div3A_175 = arith.constant 2.000000e-02 : f32
              %div3A_176 = vector.broadcast %div3A_175 : f32 to vector<16xf32>
              %div3A_177 = arith.divf %sub3A_174, %div3A_176 : vector<16xf32>
              %convert_element_type3A_178 = arith.fptosi %div3A_177 : vector<16xf32> to vector<16xi32>
              %sub3A_179 = arith.constant -1.020000e+00 : f32
              %sub3A_180 = vector.broadcast %sub3A_179 : f32 to vector<16xf32>
              %sub3A_181 = arith.subf %get3A_159, %sub3A_180 : vector<16xf32>
              %div3A_182 = arith.constant 2.000000e-02 : f32
              %div3A_183 = vector.broadcast %div3A_182 : f32 to vector<16xf32>
              %div3A_184 = arith.divf %sub3A_181, %div3A_183 : vector<16xf32>
              %convert_element_type3A_185 = arith.fptosi %div3A_184 : vector<16xf32> to vector<16xi32>
              %ge3A = arith.constant 1 : i32
              %ge3A_186 = vector.broadcast %ge3A : i32 to vector<16xi32>
              %ge3A_187 = arith.cmpi sge, %convert_element_type3A_178, %ge3A_186 : vector<16xi32>
              %and3A_188 = arith.andi %eq3A_138, %ge3A_187 : vector<16xi1>
              %le3A = arith.constant 100 : i32
              %le3A_189 = vector.broadcast %le3A : i32 to vector<16xi32>
              %le3A_190 = arith.cmpi sle, %convert_element_type3A_178, %le3A_189 : vector<16xi32>
              %and3A_191 = arith.andi %and3A_188, %le3A_190 : vector<16xi1>
              %ge3A_192 = arith.constant 1 : i32
              %ge3A_193 = vector.broadcast %ge3A_192 : i32 to vector<16xi32>
              %ge3A_194 = arith.cmpi sge, %convert_element_type3A_185, %ge3A_193 : vector<16xi32>
              %and3A_195 = arith.andi %and3A_191, %ge3A_194 : vector<16xi1>
              %le3A_196 = arith.constant 100 : i32
              %le3A_197 = vector.broadcast %le3A_196 : i32 to vector<16xi32>
              %le3A_198 = arith.cmpi sle, %convert_element_type3A_185, %le3A_197 : vector<16xi32>
              %and3A_199 = arith.andi %and3A_195, %le3A_198 : vector<16xi1>
              %sub3A_200 = arith.constant 1 : i32
              %sub3A_201 = vector.broadcast %sub3A_200 : i32 to vector<16xi32>
              %sub3A_202 = arith.subi %convert_element_type3A_178, %sub3A_201 : vector<16xi32>
              %mul3A_203 = arith.constant 100 : i32
              %mul3A_204 = vector.broadcast %mul3A_203 : i32 to vector<16xi32>
              %mul3A_205 = arith.muli %sub3A_202, %mul3A_204 : vector<16xi32>
              %sub3A_206 = arith.constant 1 : i32
              %sub3A_207 = vector.broadcast %sub3A_206 : i32 to vector<16xi32>
              %sub3A_208 = arith.subi %convert_element_type3A_185, %sub3A_207 : vector<16xi32>
              %add3A_209 = arith.addi %mul3A_205, %sub3A_208 : vector<16xi32>
              %max3A = arith.constant 0 : i32
              %max3A_210 = vector.broadcast %max3A : i32 to vector<16xi32>
              %max3A_211 = arith.maxsi %add3A_209, %max3A_210 : vector<16xi32>
              %min3A = arith.constant 9999 : i32
              %min3A_212 = vector.broadcast %min3A : i32 to vector<16xi32>
              %min3A_213 = arith.minsi %max3A_211, %min3A_212 : vector<16xi32>
              tpu.vector_store_idx %arg6[%min3A_213], %get3A_129 masked %and3A_199 {add = true} : memref<70000xf32, #tpu.memory_space<vmem>>[vector<16xi32>], vector<16xf32>, vector<16xi1>
              %add3A_214 = arith.constant 10000 : i32
              %add3A_215 = vector.broadcast %add3A_214 : i32 to vector<16xi32>
              %add3A_216 = arith.addi %min3A_213, %add3A_215 : vector<16xi32>
              tpu.vector_store_idx %arg6[%add3A_216], %get3A_155 masked %and3A_199 {add = true} : memref<70000xf32, #tpu.memory_space<vmem>>[vector<16xi32>], vector<16xf32>, vector<16xi1>
              %add3A_217 = arith.constant 20000 : i32
              %add3A_218 = vector.broadcast %add3A_217 : i32 to vector<16xi32>
              %add3A_219 = arith.addi %min3A_213, %add3A_218 : vector<16xi32>
              tpu.vector_store_idx %arg6[%add3A_219], %get3A_159 masked %and3A_199 {add = true} : memref<70000xf32, #tpu.memory_space<vmem>>[vector<16xi32>], vector<16xf32>, vector<16xi1>
              %add3A_220 = arith.constant 30000 : i32
              %add3A_221 = vector.broadcast %add3A_220 : i32 to vector<16xi32>
              %add3A_222 = arith.addi %min3A_213, %add3A_221 : vector<16xi32>
              tpu.vector_store_idx %arg6[%add3A_222], %get3A_163 masked %and3A_199 {add = true} : memref<70000xf32, #tpu.memory_space<vmem>>[vector<16xi32>], vector<16xf32>, vector<16xi1>
              %add3A_223 = arith.constant 40000 : i32
              %add3A_224 = vector.broadcast %add3A_223 : i32 to vector<16xi32>
              %add3A_225 = arith.addi %min3A_213, %add3A_224 : vector<16xi32>
              tpu.vector_store_idx %arg6[%add3A_225], %get3A_167 masked %and3A_199 {add = true} : memref<70000xf32, #tpu.memory_space<vmem>>[vector<16xi32>], vector<16xf32>, vector<16xi1>
              %add3A_226 = arith.constant 50000 : i32
              %add3A_227 = vector.broadcast %add3A_226 : i32 to vector<16xi32>
              %add3A_228 = arith.addi %min3A_213, %add3A_227 : vector<16xi32>
              tpu.vector_store_idx %arg6[%add3A_228], %get3A_171 masked %and3A_199 {add = true} : memref<70000xf32, #tpu.memory_space<vmem>>[vector<16xi32>], vector<16xf32>, vector<16xi1>
              %add3A_229 = arith.constant 60000 : i32
              %add3A_230 = vector.broadcast %add3A_229 : i32 to vector<16xi32>
              %add3A_231 = arith.addi %min3A_213, %add3A_230 : vector<16xi32>
              tpu.vector_store_idx %arg6[%add3A_231], %broadcast_in_dim3A_1 masked %and3A_199 {add = true} : memref<70000xf32, #tpu.memory_space<vmem>>[vector<16xi32>], vector<16xf32>, vector<16xi1>
            } else {
            }
          }
          %scan3A_121 = arith.constant 128 : i32
        }
        %scan3A_65 = arith.constant 16 : i32
        %convert_element_type3A_66 = arith.sitofp %select_n3A_51 : i32 to f32
        %mul3A_67 = arith.constant 0.00999999977 : f32
        %mul3A_68 = arith.mulf %convert_element_type3A_66, %mul3A_67 : f32
        %scan3A_69 = arith.constant 0 : i32
        %scan3A_70 = arith.constant 5 : i32
        %scan3A_71 = arith.addi %scan3A_69, %scan3A_70 : i32
        %scan3A_72 = arith.constant 1 : i32
        scf.for %scan3A_74 = %scan3A_69 to %scan3A_71 step %scan3A_72  : i32 {
          %mul3A_75 = arith.constant 1 : i32
          %mul3A_76 = arith.muli %scan3A_74, %mul3A_75 : i32
          %add3A_77 = arith.constant 0 : i32
          %add3A_78 = arith.addi %add3A_77, %mul3A_76 : i32
          %mul3A_79 = arith.constant 2000 : i32
          %mul3A_80 = arith.muli %add3A_78, %mul3A_79 : i32
          %scan3A_81 = arith.constant 0 : i32
          %scan3A_82 = arith.constant 125 : i32
          %scan3A_83 = arith.addi %scan3A_81, %scan3A_82 : i32
          %scan3A_84 = arith.constant 5 : i32
          scf.for %scan3A_91 = %scan3A_81 to %scan3A_83 step %scan3A_84  : i32 {
            %mul3A_92 = arith.constant 1 : i32
            %mul3A_93 = arith.muli %scan3A_91, %mul3A_92 : i32
            %add3A_94 = arith.constant 0 : i32
            %add3A_95 = arith.addi %add3A_94, %mul3A_93 : i32
            %mul3A_96 = arith.constant 16 : i32
            %mul3A_97 = arith.muli %add3A_95, %mul3A_96 : i32
            %add3A_98 = arith.addi %mul3A_80, %mul3A_97 : i32
            %broadcast_in_dim3A_99 = arith.constant 0.000000e+00 : f32
            %broadcast_in_dim3A_100 = vector.broadcast %broadcast_in_dim3A_99 : f32 to vector<16xf32>
            %add3A_101 = arith.constant 60000 : i32
            %add3A_102 = arith.addi %add3A_101, %add3A_98 : i32
            %get3A = arith.index_cast %add3A_102 : i32 to index
            %get3A_103 = tpu.vector_load %arg6[%get3A] {strides = array<i32>} : memref<70000xf32, #tpu.memory_space<vmem>>, vector<16xf32>,
            %max3A = arith.maximumf %get3A_103, %broadcast_in_dim3A_1 : vector<16xf32>
            %div3A_104 = arith.divf %broadcast_in_dim3A_1, %max3A : vector<16xf32>
            %min3A = arith.minimumf %get3A_103, %broadcast_in_dim3A_1 : vector<16xf32>
            %add3A_105 = vector.broadcast %add3A_98 : i32 to vector<16xi32>
            %add3A_106 = arith.addi %iota3A, %add3A_105 : vector<16xi32>
            %jit3A_107 = arith.constant 100 : i32
            %div3A_108 = vector.broadcast %jit3A_107 : i32 to vector<16xi32>
            %div3A_109 = arith.divsi %add3A_106, %div3A_108 : vector<16xi32>
            %sign3A_110 = arith.constant 0 : i32
            %sign3A_111 = vector.broadcast %sign3A_110 : i32 to vector<16xi32>
            %sign3A_112 = arith.cmpi sgt, %add3A_106, %sign3A_111 : vector<16xi32>
            %sign3A_113 = arith.extui %sign3A_112 : vector<16xi1> to vector<16xi32>
            %sign3A_114 = arith.constant 0 : i32
            %sign3A_115 = vector.broadcast %sign3A_114 : i32 to vector<16xi32>
            %sign3A_116 = arith.cmpi slt, %add3A_106, %sign3A_115 : vector<16xi32>
            %sign3A_117 = arith.extui %sign3A_116 : vector<16xi1> to vector<16xi32>
            %sign3A_118 = arith.subi %sign3A_113, %sign3A_117 : vector<16xi32>
            %sign3A_119 = arith.constant 0 : i32
            %sign3A_120 = arith.cmpi sgt, %jit3A_107, %sign3A_119 : i32
            %sign3A_121 = arith.extui %sign3A_120 : i1 to i32
            %sign3A_122 = arith.constant 0 : i32
            %sign3A_123 = arith.cmpi slt, %jit3A_107, %sign3A_122 : i32
            %sign3A_124 = arith.extui %sign3A_123 : i1 to i32
            %sign3A_125 = arith.subi %sign3A_121, %sign3A_124 : i32
            %ne3A_126 = vector.broadcast %sign3A_125 : i32 to vector<16xi32>
            %ne3A_127 = arith.cmpi ne, %sign3A_118, %ne3A_126 : vector<16xi32>
            %rem3A_128 = vector.broadcast %jit3A_107 : i32 to vector<16xi32>
            %rem3A_129 = arith.remsi %add3A_106, %rem3A_128 : vector<16xi32>
            %ne3A_130 = arith.constant 0 : i32
            %ne3A_131 = vector.broadcast %ne3A_130 : i32 to vector<16xi32>
            %ne3A_132 = arith.cmpi ne, %rem3A_129, %ne3A_131 : vector<16xi32>
            %and3A_133 = arith.andi %ne3A_127, %ne3A_132 : vector<16xi1>
            %sub3A_134 = arith.constant 1 : i32
            %sub3A_135 = vector.broadcast %sub3A_134 : i32 to vector<16xi32>
            %sub3A_136 = arith.subi %div3A_109, %sub3A_135 : vector<16xi32>
            %select_n3A_137 = arith.select %and3A_133, %sub3A_136, %div3A_109 : vector<16xi1>, vector<16xi32>
            %mul3A_138 = arith.constant 100 : i32
            %mul3A_139 = vector.broadcast %mul3A_138 : i32 to vector<16xi32>
            %mul3A_140 = arith.muli %select_n3A_137, %mul3A_139 : vector<16xi32>
            %sub3A_141 = arith.subi %add3A_106, %mul3A_140 : vector<16xi32>
            %convert_element_type3A_142 = arith.sitofp %select_n3A_137 : vector<16xi32> to vector<16xf32>
            %mul3A_143 = arith.constant 0.00999999977 : f32
            %mul3A_144 = vector.broadcast %mul3A_143 : f32 to vector<16xf32>
            %mul3A_145 = arith.mulf %convert_element_type3A_142, %mul3A_144 : vector<16xf32>
            %convert_element_type3A_146 = arith.sitofp %sub3A_141 : vector<16xi32> to vector<16xf32>
            %mul3A_147 = arith.constant 0.00999999977 : f32
            %mul3A_148 = vector.broadcast %mul3A_147 : f32 to vector<16xf32>
            %mul3A_149 = arith.mulf %convert_element_type3A_146, %mul3A_148 : vector<16xf32>
            %sub3A_150 = vector.broadcast %mul3A_80 : i32 to vector<16xi32>
            %sub3A_151 = arith.subi %add3A_106, %sub3A_150 : vector<16xi32>
            %mul3A_152 = arith.constant 10 : i32
            %mul3A_153 = vector.broadcast %mul3A_152 : i32 to vector<16xi32>
            %mul3A_154 = arith.muli %sub3A_151, %mul3A_153 : vector<16xi32>
            %add3A_155 = arith.constant 0 : i32
            %add3A_156 = arith.addi %add3A_155, %add3A_98 : i32
            %get3A_157 = arith.index_cast %add3A_156 : i32 to index
            %get3A_158 = tpu.vector_load %arg6[%get3A_157] {strides = array<i32>} : memref<70000xf32, #tpu.memory_space<vmem>>, vector<16xf32>,
            %add3A_159 = arith.constant 0 : i32
            %add3A_160 = arith.addi %add3A_159, %add3A_98 : i32
            %swap3A = arith.index_cast %add3A_160 : i32 to index
            %swap3A_161 = tpu.vector_load %arg6[%swap3A] {strides = array<i32>} : memref<70000xf32, #tpu.memory_space<vmem>>, vector<16xf32>,
            tpu.vector_store %arg6[%swap3A], %broadcast_in_dim3A_100 {strides = array<i32>} : memref<70000xf32, #tpu.memory_space<vmem>>, vector<16xf32>,
            %add3A_162 = arith.constant 0 : i32
            %add3A_163 = vector.broadcast %add3A_162 : i32 to vector<16xi32>
            %add3A_164 = arith.addi %mul3A_154, %add3A_163 : vector<16xi32>
            %mul3A_165 = arith.mulf %get3A_158, %div3A_104 : vector<16xf32>
            tpu.vector_store_idx %arg7[%add3A_164], %mul3A_165 : memref<20000xf32, #tpu.memory_space<vmem>>[vector<16xi32>], vector<16xf32>,
            %add3A_166 = arith.constant 10000 : i32
            %add3A_167 = arith.addi %add3A_166, %add3A_98 : i32
            %get3A_168 = arith.index_cast %add3A_167 : i32 to index
            %get3A_169 = tpu.vector_load %arg6[%get3A_168] {strides = array<i32>} : memref<70000xf32, #tpu.memory_space<vmem>>, vector<16xf32>,
            %add3A_170 = arith.constant 10000 : i32
            %add3A_171 = arith.addi %add3A_170, %add3A_98 : i32
            %swap3A_172 = arith.index_cast %add3A_171 : i32 to index
            %swap3A_173 = tpu.vector_load %arg6[%swap3A_172] {strides = array<i32>} : memref<70000xf32, #tpu.memory_space<vmem>>, vector<16xf32>,
            tpu.vector_store %arg6[%swap3A_172], %broadcast_in_dim3A_100 {strides = array<i32>} : memref<70000xf32, #tpu.memory_space<vmem>>, vector<16xf32>,
            %add3A_174 = arith.constant 1 : i32
            %add3A_175 = vector.broadcast %add3A_174 : i32 to vector<16xi32>
            %add3A_176 = arith.addi %mul3A_154, %add3A_175 : vector<16xi32>
            %mul3A_177 = arith.mulf %get3A_169, %div3A_104 : vector<16xf32>
            tpu.vector_store_idx %arg7[%add3A_176], %mul3A_177 : memref<20000xf32, #tpu.memory_space<vmem>>[vector<16xi32>], vector<16xf32>,
            %add3A_178 = arith.constant 20000 : i32
            %add3A_179 = arith.addi %add3A_178, %add3A_98 : i32
            %get3A_180 = arith.index_cast %add3A_179 : i32 to index
            %get3A_181 = tpu.vector_load %arg6[%get3A_180] {strides = array<i32>} : memref<70000xf32, #tpu.memory_space<vmem>>, vector<16xf32>,
            %add3A_182 = arith.constant 20000 : i32
            %add3A_183 = arith.addi %add3A_182, %add3A_98 : i32
            %swap3A_184 = arith.index_cast %add3A_183 : i32 to index
            %swap3A_185 = tpu.vector_load %arg6[%swap3A_184] {strides = array<i32>} : memref<70000xf32, #tpu.memory_space<vmem>>, vector<16xf32>,
            tpu.vector_store %arg6[%swap3A_184], %broadcast_in_dim3A_100 {strides = array<i32>} : memref<70000xf32, #tpu.memory_space<vmem>>, vector<16xf32>,
            %add3A_186 = arith.constant 2 : i32
            %add3A_187 = vector.broadcast %add3A_186 : i32 to vector<16xi32>
            %add3A_188 = arith.addi %mul3A_154, %add3A_187 : vector<16xi32>
            %mul3A_189 = arith.mulf %get3A_181, %div3A_104 : vector<16xf32>
            tpu.vector_store_idx %arg7[%add3A_188], %mul3A_189 : memref<20000xf32, #tpu.memory_space<vmem>>[vector<16xi32>], vector<16xf32>,
            %add3A_190 = arith.constant 30000 : i32
            %add3A_191 = arith.addi %add3A_190, %add3A_98 : i32
            %get3A_192 = arith.index_cast %add3A_191 : i32 to index
            %get3A_193 = tpu.vector_load %arg6[%get3A_192] {strides = array<i32>} : memref<70000xf32, #tpu.memory_space<vmem>>, vector<16xf32>,
            %add3A_194 = arith.constant 30000 : i32
            %add3A_195 = arith.addi %add3A_194, %add3A_98 : i32
            %swap3A_196 = arith.index_cast %add3A_195 : i32 to index
            %swap3A_197 = tpu.vector_load %arg6[%swap3A_196] {strides = array<i32>} : memref<70000xf32, #tpu.memory_space<vmem>>, vector<16xf32>,
            tpu.vector_store %arg6[%swap3A_196], %broadcast_in_dim3A_100 {strides = array<i32>} : memref<70000xf32, #tpu.memory_space<vmem>>, vector<16xf32>,
            %add3A_198 = arith.constant 3 : i32
            %add3A_199 = vector.broadcast %add3A_198 : i32 to vector<16xi32>
            %add3A_200 = arith.addi %mul3A_154, %add3A_199 : vector<16xi32>
            %mul3A_201 = arith.mulf %get3A_193, %div3A_104 : vector<16xf32>
            tpu.vector_store_idx %arg7[%add3A_200], %mul3A_201 : memref<20000xf32, #tpu.memory_space<vmem>>[vector<16xi32>], vector<16xf32>,
            %add3A_202 = arith.constant 40000 : i32
            %add3A_203 = arith.addi %add3A_202, %add3A_98 : i32
            %get3A_204 = arith.index_cast %add3A_203 : i32 to index
            %get3A_205 = tpu.vector_load %arg6[%get3A_204] {strides = array<i32>} : memref<70000xf32, #tpu.memory_space<vmem>>, vector<16xf32>,
            %add3A_206 = arith.constant 40000 : i32
            %add3A_207 = arith.addi %add3A_206, %add3A_98 : i32
            %swap3A_208 = arith.index_cast %add3A_207 : i32 to index
            %swap3A_209 = tpu.vector_load %arg6[%swap3A_208] {strides = array<i32>} : memref<70000xf32, #tpu.memory_space<vmem>>, vector<16xf32>,
            tpu.vector_store %arg6[%swap3A_208], %broadcast_in_dim3A_100 {strides = array<i32>} : memref<70000xf32, #tpu.memory_space<vmem>>, vector<16xf32>,
            %add3A_210 = arith.constant 4 : i32
            %add3A_211 = vector.broadcast %add3A_210 : i32 to vector<16xi32>
            %add3A_212 = arith.addi %mul3A_154, %add3A_211 : vector<16xi32>
            %mul3A_213 = arith.mulf %get3A_205, %div3A_104 : vector<16xf32>
            tpu.vector_store_idx %arg7[%add3A_212], %mul3A_213 : memref<20000xf32, #tpu.memory_space<vmem>>[vector<16xi32>], vector<16xf32>,
            %add3A_214 = arith.constant 50000 : i32
            %add3A_215 = arith.addi %add3A_214, %add3A_98 : i32
            %get3A_216 = arith.index_cast %add3A_215 : i32 to index
            %get3A_217 = tpu.vector_load %arg6[%get3A_216] {strides = array<i32>} : memref<70000xf32, #tpu.memory_space<vmem>>, vector<16xf32>,
            %add3A_218 = arith.constant 50000 : i32
            %add3A_219 = arith.addi %add3A_218, %add3A_98 : i32
            %swap3A_220 = arith.index_cast %add3A_219 : i32 to index
            %swap3A_221 = tpu.vector_load %arg6[%swap3A_220] {strides = array<i32>} : memref<70000xf32, #tpu.memory_space<vmem>>, vector<16xf32>,
            tpu.vector_store %arg6[%swap3A_220], %broadcast_in_dim3A_100 {strides = array<i32>} : memref<70000xf32, #tpu.memory_space<vmem>>, vector<16xf32>,
            %add3A_222 = arith.constant 5 : i32
            %add3A_223 = vector.broadcast %add3A_222 : i32 to vector<16xi32>
            %add3A_224 = arith.addi %mul3A_154, %add3A_223 : vector<16xi32>
            %mul3A_225 = arith.mulf %get3A_217, %div3A_104 : vector<16xf32>
            tpu.vector_store_idx %arg7[%add3A_224], %mul3A_225 : memref<20000xf32, #tpu.memory_space<vmem>>[vector<16xi32>], vector<16xf32>,
            %add3A_226 = arith.constant 60000 : i32
            %add3A_227 = arith.addi %add3A_226, %add3A_98 : i32
            %swap3A_228 = arith.index_cast %add3A_227 : i32 to index
            %swap3A_229 = tpu.vector_load %arg6[%swap3A_228] {strides = array<i32>} : memref<70000xf32, #tpu.memory_space<vmem>>, vector<16xf32>,
            tpu.vector_store %arg6[%swap3A_228], %broadcast_in_dim3A_100 {strides = array<i32>} : memref<70000xf32, #tpu.memory_space<vmem>>, vector<16xf32>,
            %add3A_230 = arith.constant 6 : i32
            %add3A_231 = vector.broadcast %add3A_230 : i32 to vector<16xi32>
            %add3A_232 = arith.addi %mul3A_154, %add3A_231 : vector<16xi32>
            %broadcast_in_dim3A_233 = vector.broadcast %mul3A_68 : f32 to vector<16xf32>
            tpu.vector_store_idx %arg7[%add3A_232], %broadcast_in_dim3A_233 : memref<20000xf32, #tpu.memory_space<vmem>>[vector<16xi32>], vector<16xf32>,
            %add3A_234 = arith.constant 7 : i32
            %add3A_235 = vector.broadcast %add3A_234 : i32 to vector<16xi32>
            %add3A_236 = arith.addi %mul3A_154, %add3A_235 : vector<16xi32>
            tpu.vector_store_idx %arg7[%add3A_236], %mul3A_145 : memref<20000xf32, #tpu.memory_space<vmem>>[vector<16xi32>], vector<16xf32>,
            %add3A_237 = arith.constant 8 : i32
            %add3A_238 = vector.broadcast %add3A_237 : i32 to vector<16xi32>
            %add3A_239 = arith.addi %mul3A_154, %add3A_238 : vector<16xi32>
            tpu.vector_store_idx %arg7[%add3A_239], %mul3A_149 : memref<20000xf32, #tpu.memory_space<vmem>>[vector<16xi32>], vector<16xf32>,
            %add3A_240 = arith.constant 9 : i32
            %add3A_241 = vector.broadcast %add3A_240 : i32 to vector<16xi32>
            %add3A_242 = arith.addi %mul3A_154, %add3A_241 : vector<16xi32>
            tpu.vector_store_idx %arg7[%add3A_242], %min3A : memref<20000xf32, #tpu.memory_space<vmem>>[vector<16xi32>], vector<16xf32>,
            %scan3A_243 = arith.constant 1 : i32
            %scan3A_244 = arith.addi %scan3A_91, %scan3A_243 : i32
            %mul3A_245 = arith.constant 1 : i32
            %mul3A_246 = arith.muli %scan3A_244, %mul3A_245 : i32
            %add3A_247 = arith.constant 0 : i32
            %add3A_248 = arith.addi %add3A_247, %mul3A_246 : i32
            %mul3A_249 = arith.constant 16 : i32
            %mul3A_250 = arith.muli %add3A_248, %mul3A_249 : i32
            %add3A_251 = arith.addi %mul3A_80, %mul3A_250 : i32
            %broadcast_in_dim3A_252 = arith.constant 0.000000e+00 : f32
            %broadcast_in_dim3A_253 = vector.broadcast %broadcast_in_dim3A_252 : f32 to vector<16xf32>
            %add3A_254 = arith.constant 60000 : i32
            %add3A_255 = arith.addi %add3A_254, %add3A_251 : i32
            %get3A_256 = arith.index_cast %add3A_255 : i32 to index
            %get3A_257 = tpu.vector_load %arg6[%get3A_256] {strides = array<i32>} : memref<70000xf32, #tpu.memory_space<vmem>>, vector<16xf32>,
            %max3A_258 = arith.maximumf %get3A_257, %broadcast_in_dim3A_1 : vector<16xf32>
            %div3A_259 = arith.divf %broadcast_in_dim3A_1, %max3A_258 : vector<16xf32>
            %min3A_260 = arith.minimumf %get3A_257, %broadcast_in_dim3A_1 : vector<16xf32>
            %add3A_261 = vector.broadcast %add3A_251 : i32 to vector<16xi32>
            %add3A_262 = arith.addi %iota3A, %add3A_261 : vector<16xi32>
            %jit3A_263 = arith.constant 100 : i32
            %div3A_264 = vector.broadcast %jit3A_263 : i32 to vector<16xi32>
            %div3A_265 = arith.divsi %add3A_262, %div3A_264 : vector<16xi32>
            %sign3A_266 = arith.constant 0 : i32
            %sign3A_267 = vector.broadcast %sign3A_266 : i32 to vector<16xi32>
            %sign3A_268 = arith.cmpi sgt, %add3A_262, %sign3A_267 : vector<16xi32>
            %sign3A_269 = arith.extui %sign3A_268 : vector<16xi1> to vector<16xi32>
            %sign3A_270 = arith.constant 0 : i32
            %sign3A_271 = vector.broadcast %sign3A_270 : i32 to vector<16xi32>
            %sign3A_272 = arith.cmpi slt, %add3A_262, %sign3A_271 : vector<16xi32>
            %sign3A_273 = arith.extui %sign3A_272 : vector<16xi1> to vector<16xi32>
            %sign3A_274 = arith.subi %sign3A_269, %sign3A_273 : vector<16xi32>
            %sign3A_275 = arith.constant 0 : i32
            %sign3A_276 = arith.cmpi sgt, %jit3A_263, %sign3A_275 : i32
            %sign3A_277 = arith.extui %sign3A_276 : i1 to i32
            %sign3A_278 = arith.constant 0 : i32
            %sign3A_279 = arith.cmpi slt, %jit3A_263, %sign3A_278 : i32
            %sign3A_280 = arith.extui %sign3A_279 : i1 to i32
            %sign3A_281 = arith.subi %sign3A_277, %sign3A_280 : i32
            %ne3A_282 = vector.broadcast %sign3A_281 : i32 to vector<16xi32>
            %ne3A_283 = arith.cmpi ne, %sign3A_274, %ne3A_282 : vector<16xi32>
            %rem3A_284 = vector.broadcast %jit3A_263 : i32 to vector<16xi32>
            %rem3A_285 = arith.remsi %add3A_262, %rem3A_284 : vector<16xi32>
            %ne3A_286 = arith.constant 0 : i32
            %ne3A_287 = vector.broadcast %ne3A_286 : i32 to vector<16xi32>
            %ne3A_288 = arith.cmpi ne, %rem3A_285, %ne3A_287 : vector<16xi32>
            %and3A_289 = arith.andi %ne3A_283, %ne3A_288 : vector<16xi1>
            %sub3A_290 = arith.constant 1 : i32
            %sub3A_291 = vector.broadcast %sub3A_290 : i32 to vector<16xi32>
            %sub3A_292 = arith.subi %div3A_265, %sub3A_291 : vector<16xi32>
            %select_n3A_293 = arith.select %and3A_289, %sub3A_292, %div3A_265 : vector<16xi1>, vector<16xi32>
            %mul3A_294 = arith.constant 100 : i32
            %mul3A_295 = vector.broadcast %mul3A_294 : i32 to vector<16xi32>
            %mul3A_296 = arith.muli %select_n3A_293, %mul3A_295 : vector<16xi32>
            %sub3A_297 = arith.subi %add3A_262, %mul3A_296 : vector<16xi32>
            %convert_element_type3A_298 = arith.sitofp %select_n3A_293 : vector<16xi32> to vector<16xf32>
            %mul3A_299 = arith.constant 0.00999999977 : f32
            %mul3A_300 = vector.broadcast %mul3A_299 : f32 to vector<16xf32>
            %mul3A_301 = arith.mulf %convert_element_type3A_298, %mul3A_300 : vector<16xf32>
            %convert_element_type3A_302 = arith.sitofp %sub3A_297 : vector<16xi32> to vector<16xf32>
            %mul3A_303 = arith.constant 0.00999999977 : f32
            %mul3A_304 = vector.broadcast %mul3A_303 : f32 to vector<16xf32>
            %mul3A_305 = arith.mulf %convert_element_type3A_302, %mul3A_304 : vector<16xf32>
            %sub3A_306 = vector.broadcast %mul3A_80 : i32 to vector<16xi32>
            %sub3A_307 = arith.subi %add3A_262, %sub3A_306 : vector<16xi32>
            %mul3A_308 = arith.constant 10 : i32
            %mul3A_309 = vector.broadcast %mul3A_308 : i32 to vector<16xi32>
            %mul3A_310 = arith.muli %sub3A_307, %mul3A_309 : vector<16xi32>
            %add3A_311 = arith.constant 0 : i32
            %add3A_312 = arith.addi %add3A_311, %add3A_251 : i32
            %get3A_313 = arith.index_cast %add3A_312 : i32 to index
            %get3A_314 = tpu.vector_load %arg6[%get3A_313] {strides = array<i32>} : memref<70000xf32, #tpu.memory_space<vmem>>, vector<16xf32>,
            %add3A_315 = arith.constant 0 : i32
            %add3A_316 = arith.addi %add3A_315, %add3A_251 : i32
            %swap3A_317 = arith.index_cast %add3A_316 : i32 to index
            %swap3A_318 = tpu.vector_load %arg6[%swap3A_317] {strides = array<i32>} : memref<70000xf32, #tpu.memory_space<vmem>>, vector<16xf32>,
            tpu.vector_store %arg6[%swap3A_317], %broadcast_in_dim3A_253 {strides = array<i32>} : memref<70000xf32, #tpu.memory_space<vmem>>, vector<16xf32>,
            %add3A_319 = arith.constant 0 : i32
            %add3A_320 = vector.broadcast %add3A_319 : i32 to vector<16xi32>
            %add3A_321 = arith.addi %mul3A_310, %add3A_320 : vector<16xi32>
            %mul3A_322 = arith.mulf %get3A_314, %div3A_259 : vector<16xf32>
            tpu.vector_store_idx %arg7[%add3A_321], %mul3A_322 : memref<20000xf32, #tpu.memory_space<vmem>>[vector<16xi32>], vector<16xf32>,
            %add3A_323 = arith.constant 10000 : i32
            %add3A_324 = arith.addi %add3A_323, %add3A_251 : i32
            %get3A_325 = arith.index_cast %add3A_324 : i32 to index
            %get3A_326 = tpu.vector_load %arg6[%get3A_325] {strides = array<i32>} : memref<70000xf32, #tpu.memory_space<vmem>>, vector<16xf32>,
            %add3A_327 = arith.constant 10000 : i32
            %add3A_328 = arith.addi %add3A_327, %add3A_251 : i32
            %swap3A_329 = arith.index_cast %add3A_328 : i32 to index
            %swap3A_330 = tpu.vector_load %arg6[%swap3A_329] {strides = array<i32>} : memref<70000xf32, #tpu.memory_space<vmem>>, vector<16xf32>,
            tpu.vector_store %arg6[%swap3A_329], %broadcast_in_dim3A_253 {strides = array<i32>} : memref<70000xf32, #tpu.memory_space<vmem>>, vector<16xf32>,
            %add3A_331 = arith.constant 1 : i32
            %add3A_332 = vector.broadcast %add3A_331 : i32 to vector<16xi32>
            %add3A_333 = arith.addi %mul3A_310, %add3A_332 : vector<16xi32>
            %mul3A_334 = arith.mulf %get3A_326, %div3A_259 : vector<16xf32>
            tpu.vector_store_idx %arg7[%add3A_333], %mul3A_334 : memref<20000xf32, #tpu.memory_space<vmem>>[vector<16xi32>], vector<16xf32>,
            %add3A_335 = arith.constant 20000 : i32
            %add3A_336 = arith.addi %add3A_335, %add3A_251 : i32
            %get3A_337 = arith.index_cast %add3A_336 : i32 to index
            %get3A_338 = tpu.vector_load %arg6[%get3A_337] {strides = array<i32>} : memref<70000xf32, #tpu.memory_space<vmem>>, vector<16xf32>,
            %add3A_339 = arith.constant 20000 : i32
            %add3A_340 = arith.addi %add3A_339, %add3A_251 : i32
            %swap3A_341 = arith.index_cast %add3A_340 : i32 to index
            %swap3A_342 = tpu.vector_load %arg6[%swap3A_341] {strides = array<i32>} : memref<70000xf32, #tpu.memory_space<vmem>>, vector<16xf32>,
            tpu.vector_store %arg6[%swap3A_341], %broadcast_in_dim3A_253 {strides = array<i32>} : memref<70000xf32, #tpu.memory_space<vmem>>, vector<16xf32>,
            %add3A_343 = arith.constant 2 : i32
            %add3A_344 = vector.broadcast %add3A_343 : i32 to vector<16xi32>
            %add3A_345 = arith.addi %mul3A_310, %add3A_344 : vector<16xi32>
            %mul3A_346 = arith.mulf %get3A_338, %div3A_259 : vector<16xf32>
            tpu.vector_store_idx %arg7[%add3A_345], %mul3A_346 : memref<20000xf32, #tpu.memory_space<vmem>>[vector<16xi32>], vector<16xf32>,
            %add3A_347 = arith.constant 30000 : i32
            %add3A_348 = arith.addi %add3A_347, %add3A_251 : i32
            %get3A_349 = arith.index_cast %add3A_348 : i32 to index
            %get3A_350 = tpu.vector_load %arg6[%get3A_349] {strides = array<i32>} : memref<70000xf32, #tpu.memory_space<vmem>>, vector<16xf32>,
            %add3A_351 = arith.constant 30000 : i32
            %add3A_352 = arith.addi %add3A_351, %add3A_251 : i32
            %swap3A_353 = arith.index_cast %add3A_352 : i32 to index
            %swap3A_354 = tpu.vector_load %arg6[%swap3A_353] {strides = array<i32>} : memref<70000xf32, #tpu.memory_space<vmem>>, vector<16xf32>,
            tpu.vector_store %arg6[%swap3A_353], %broadcast_in_dim3A_253 {strides = array<i32>} : memref<70000xf32, #tpu.memory_space<vmem>>, vector<16xf32>,
            %add3A_355 = arith.constant 3 : i32
            %add3A_356 = vector.broadcast %add3A_355 : i32 to vector<16xi32>
            %add3A_357 = arith.addi %mul3A_310, %add3A_356 : vector<16xi32>
            %mul3A_358 = arith.mulf %get3A_350, %div3A_259 : vector<16xf32>
            tpu.vector_store_idx %arg7[%add3A_357], %mul3A_358 : memref<20000xf32, #tpu.memory_space<vmem>>[vector<16xi32>], vector<16xf32>,
            %add3A_359 = arith.constant 40000 : i32
            %add3A_360 = arith.addi %add3A_359, %add3A_251 : i32
            %get3A_361 = arith.index_cast %add3A_360 : i32 to index
            %get3A_362 = tpu.vector_load %arg6[%get3A_361] {strides = array<i32>} : memref<70000xf32, #tpu.memory_space<vmem>>, vector<16xf32>,
            %add3A_363 = arith.constant 40000 : i32
            %add3A_364 = arith.addi %add3A_363, %add3A_251 : i32
            %swap3A_365 = arith.index_cast %add3A_364 : i32 to index
            %swap3A_366 = tpu.vector_load %arg6[%swap3A_365] {strides = array<i32>} : memref<70000xf32, #tpu.memory_space<vmem>>, vector<16xf32>,
            tpu.vector_store %arg6[%swap3A_365], %broadcast_in_dim3A_253 {strides = array<i32>} : memref<70000xf32, #tpu.memory_space<vmem>>, vector<16xf32>,
            %add3A_367 = arith.constant 4 : i32
            %add3A_368 = vector.broadcast %add3A_367 : i32 to vector<16xi32>
            %add3A_369 = arith.addi %mul3A_310, %add3A_368 : vector<16xi32>
            %mul3A_370 = arith.mulf %get3A_362, %div3A_259 : vector<16xf32>
            tpu.vector_store_idx %arg7[%add3A_369], %mul3A_370 : memref<20000xf32, #tpu.memory_space<vmem>>[vector<16xi32>], vector<16xf32>,
            %add3A_371 = arith.constant 50000 : i32
            %add3A_372 = arith.addi %add3A_371, %add3A_251 : i32
            %get3A_373 = arith.index_cast %add3A_372 : i32 to index
            %get3A_374 = tpu.vector_load %arg6[%get3A_373] {strides = array<i32>} : memref<70000xf32, #tpu.memory_space<vmem>>, vector<16xf32>,
            %add3A_375 = arith.constant 50000 : i32
            %add3A_376 = arith.addi %add3A_375, %add3A_251 : i32
            %swap3A_377 = arith.index_cast %add3A_376 : i32 to index
            %swap3A_378 = tpu.vector_load %arg6[%swap3A_377] {strides = array<i32>} : memref<70000xf32, #tpu.memory_space<vmem>>, vector<16xf32>,
            tpu.vector_store %arg6[%swap3A_377], %broadcast_in_dim3A_253 {strides = array<i32>} : memref<70000xf32, #tpu.memory_space<vmem>>, vector<16xf32>,
            %add3A_379 = arith.constant 5 : i32
            %add3A_380 = vector.broadcast %add3A_379 : i32 to vector<16xi32>
            %add3A_381 = arith.addi %mul3A_310, %add3A_380 : vector<16xi32>
            %mul3A_382 = arith.mulf %get3A_374, %div3A_259 : vector<16xf32>
            tpu.vector_store_idx %arg7[%add3A_381], %mul3A_382 : memref<20000xf32, #tpu.memory_space<vmem>>[vector<16xi32>], vector<16xf32>,
            %add3A_383 = arith.constant 60000 : i32
            %add3A_384 = arith.addi %add3A_383, %add3A_251 : i32
            %swap3A_385 = arith.index_cast %add3A_384 : i32 to index
            %swap3A_386 = tpu.vector_load %arg6[%swap3A_385] {strides = array<i32>} : memref<70000xf32, #tpu.memory_space<vmem>>, vector<16xf32>,
            tpu.vector_store %arg6[%swap3A_385], %broadcast_in_dim3A_253 {strides = array<i32>} : memref<70000xf32, #tpu.memory_space<vmem>>, vector<16xf32>,
            %add3A_387 = arith.constant 6 : i32
            %add3A_388 = vector.broadcast %add3A_387 : i32 to vector<16xi32>
            %add3A_389 = arith.addi %mul3A_310, %add3A_388 : vector<16xi32>
            %broadcast_in_dim3A_390 = vector.broadcast %mul3A_68 : f32 to vector<16xf32>
            tpu.vector_store_idx %arg7[%add3A_389], %broadcast_in_dim3A_390 : memref<20000xf32, #tpu.memory_space<vmem>>[vector<16xi32>], vector<16xf32>,
            %add3A_391 = arith.constant 7 : i32
            %add3A_392 = vector.broadcast %add3A_391 : i32 to vector<16xi32>
            %add3A_393 = arith.addi %mul3A_310, %add3A_392 : vector<16xi32>
            tpu.vector_store_idx %arg7[%add3A_393], %mul3A_301 : memref<20000xf32, #tpu.memory_space<vmem>>[vector<16xi32>], vector<16xf32>,
            %add3A_394 = arith.constant 8 : i32
            %add3A_395 = vector.broadcast %add3A_394 : i32 to vector<16xi32>
            %add3A_396 = arith.addi %mul3A_310, %add3A_395 : vector<16xi32>
            tpu.vector_store_idx %arg7[%add3A_396], %mul3A_305 : memref<20000xf32, #tpu.memory_space<vmem>>[vector<16xi32>], vector<16xf32>,
            %add3A_397 = arith.constant 9 : i32
            %add3A_398 = vector.broadcast %add3A_397 : i32 to vector<16xi32>
            %add3A_399 = arith.addi %mul3A_310, %add3A_398 : vector<16xi32>
            tpu.vector_store_idx %arg7[%add3A_399], %min3A_260 : memref<20000xf32, #tpu.memory_space<vmem>>[vector<16xi32>], vector<16xf32>,
            %scan3A_400 = arith.constant 2 : i32
            %scan3A_401 = arith.addi %scan3A_91, %scan3A_400 : i32
            %mul3A_402 = arith.constant 1 : i32
            %mul3A_403 = arith.muli %scan3A_401, %mul3A_402 : i32
            %add3A_404 = arith.constant 0 : i32
            %add3A_405 = arith.addi %add3A_404, %mul3A_403 : i32
            %mul3A_406 = arith.constant 16 : i32
            %mul3A_407 = arith.muli %add3A_405, %mul3A_406 : i32
            %add3A_408 = arith.addi %mul3A_80, %mul3A_407 : i32
            %broadcast_in_dim3A_409 = arith.constant 0.000000e+00 : f32
            %broadcast_in_dim3A_410 = vector.broadcast %broadcast_in_dim3A_409 : f32 to vector<16xf32>
            %add3A_411 = arith.constant 60000 : i32
            %add3A_412 = arith.addi %add3A_411, %add3A_408 : i32
            %get3A_413 = arith.index_cast %add3A_412 : i32 to index
            %get3A_414 = tpu.vector_load %arg6[%get3A_413] {strides = array<i32>} : memref<70000xf32, #tpu.memory_space<vmem>>, vector<16xf32>,
            %max3A_415 = arith.maximumf %get3A_414, %broadcast_in_dim3A_1 : vector<16xf32>
            %div3A_416 = arith.divf %broadcast_in_dim3A_1, %max3A_415 : vector<16xf32>
            %min3A_417 = arith.minimumf %get3A_414, %broadcast_in_dim3A_1 : vector<16xf32>
            %add3A_418 = vector.broadcast %add3A_408 : i32 to vector<16xi32>
            %add3A_419 = arith.addi %iota3A, %add3A_418 : vector<16xi32>
            %jit3A_420 = arith.constant 100 : i32
            %div3A_421 = vector.broadcast %jit3A_420 : i32 to vector<16xi32>
            %div3A_422 = arith.divsi %add3A_419, %div3A_421 : vector<16xi32>
            %sign3A_423 = arith.constant 0 : i32
            %sign3A_424 = vector.broadcast %sign3A_423 : i32 to vector<16xi32>
            %sign3A_425 = arith.cmpi sgt, %add3A_419, %sign3A_424 : vector<16xi32>
            %sign3A_426 = arith.extui %sign3A_425 : vector<16xi1> to vector<16xi32>
            %sign3A_427 = arith.constant 0 : i32
            %sign3A_428 = vector.broadcast %sign3A_427 : i32 to vector<16xi32>
            %sign3A_429 = arith.cmpi slt, %add3A_419, %sign3A_428 : vector<16xi32>
            %sign3A_430 = arith.extui %sign3A_429 : vector<16xi1> to vector<16xi32>
            %sign3A_431 = arith.subi %sign3A_426, %sign3A_430 : vector<16xi32>
            %sign3A_432 = arith.constant 0 : i32
            %sign3A_433 = arith.cmpi sgt, %jit3A_420, %sign3A_432 : i32
            %sign3A_434 = arith.extui %sign3A_433 : i1 to i32
            %sign3A_435 = arith.constant 0 : i32
            %sign3A_436 = arith.cmpi slt, %jit3A_420, %sign3A_435 : i32
            %sign3A_437 = arith.extui %sign3A_436 : i1 to i32
            %sign3A_438 = arith.subi %sign3A_434, %sign3A_437 : i32
            %ne3A_439 = vector.broadcast %sign3A_438 : i32 to vector<16xi32>
            %ne3A_440 = arith.cmpi ne, %sign3A_431, %ne3A_439 : vector<16xi32>
            %rem3A_441 = vector.broadcast %jit3A_420 : i32 to vector<16xi32>
            %rem3A_442 = arith.remsi %add3A_419, %rem3A_441 : vector<16xi32>
            %ne3A_443 = arith.constant 0 : i32
            %ne3A_444 = vector.broadcast %ne3A_443 : i32 to vector<16xi32>
            %ne3A_445 = arith.cmpi ne, %rem3A_442, %ne3A_444 : vector<16xi32>
            %and3A_446 = arith.andi %ne3A_440, %ne3A_445 : vector<16xi1>
            %sub3A_447 = arith.constant 1 : i32
            %sub3A_448 = vector.broadcast %sub3A_447 : i32 to vector<16xi32>
            %sub3A_449 = arith.subi %div3A_422, %sub3A_448 : vector<16xi32>
            %select_n3A_450 = arith.select %and3A_446, %sub3A_449, %div3A_422 : vector<16xi1>, vector<16xi32>
            %mul3A_451 = arith.constant 100 : i32
            %mul3A_452 = vector.broadcast %mul3A_451 : i32 to vector<16xi32>
            %mul3A_453 = arith.muli %select_n3A_450, %mul3A_452 : vector<16xi32>
            %sub3A_454 = arith.subi %add3A_419, %mul3A_453 : vector<16xi32>
            %convert_element_type3A_455 = arith.sitofp %select_n3A_450 : vector<16xi32> to vector<16xf32>
            %mul3A_456 = arith.constant 0.00999999977 : f32
            %mul3A_457 = vector.broadcast %mul3A_456 : f32 to vector<16xf32>
            %mul3A_458 = arith.mulf %convert_element_type3A_455, %mul3A_457 : vector<16xf32>
            %convert_element_type3A_459 = arith.sitofp %sub3A_454 : vector<16xi32> to vector<16xf32>
            %mul3A_460 = arith.constant 0.00999999977 : f32
            %mul3A_461 = vector.broadcast %mul3A_460 : f32 to vector<16xf32>
            %mul3A_462 = arith.mulf %convert_element_type3A_459, %mul3A_461 : vector<16xf32>
            %sub3A_463 = vector.broadcast %mul3A_80 : i32 to vector<16xi32>
            %sub3A_464 = arith.subi %add3A_419, %sub3A_463 : vector<16xi32>
            %mul3A_465 = arith.constant 10 : i32
            %mul3A_466 = vector.broadcast %mul3A_465 : i32 to vector<16xi32>
            %mul3A_467 = arith.muli %sub3A_464, %mul3A_466 : vector<16xi32>
            %add3A_468 = arith.constant 0 : i32
            %add3A_469 = arith.addi %add3A_468, %add3A_408 : i32
            %get3A_470 = arith.index_cast %add3A_469 : i32 to index
            %get3A_471 = tpu.vector_load %arg6[%get3A_470] {strides = array<i32>} : memref<70000xf32, #tpu.memory_space<vmem>>, vector<16xf32>,
            %add3A_472 = arith.constant 0 : i32
            %add3A_473 = arith.addi %add3A_472, %add3A_408 : i32
            %swap3A_474 = arith.index_cast %add3A_473 : i32 to index
            %swap3A_475 = tpu.vector_load %arg6[%swap3A_474] {strides = array<i32>} : memref<70000xf32, #tpu.memory_space<vmem>>, vector<16xf32>,
            tpu.vector_store %arg6[%swap3A_474], %broadcast_in_dim3A_410 {strides = array<i32>} : memref<70000xf32, #tpu.memory_space<vmem>>, vector<16xf32>,
            %add3A_476 = arith.constant 0 : i32
            %add3A_477 = vector.broadcast %add3A_476 : i32 to vector<16xi32>
            %add3A_478 = arith.addi %mul3A_467, %add3A_477 : vector<16xi32>
            %mul3A_479 = arith.mulf %get3A_471, %div3A_416 : vector<16xf32>
            tpu.vector_store_idx %arg7[%add3A_478], %mul3A_479 : memref<20000xf32, #tpu.memory_space<vmem>>[vector<16xi32>], vector<16xf32>,
            %add3A_480 = arith.constant 10000 : i32
            %add3A_481 = arith.addi %add3A_480, %add3A_408 : i32
            %get3A_482 = arith.index_cast %add3A_481 : i32 to index
            %get3A_483 = tpu.vector_load %arg6[%get3A_482] {strides = array<i32>} : memref<70000xf32, #tpu.memory_space<vmem>>, vector<16xf32>,
            %add3A_484 = arith.constant 10000 : i32
            %add3A_485 = arith.addi %add3A_484, %add3A_408 : i32
            %swap3A_486 = arith.index_cast %add3A_485 : i32 to index
            %swap3A_487 = tpu.vector_load %arg6[%swap3A_486] {strides = array<i32>} : memref<70000xf32, #tpu.memory_space<vmem>>, vector<16xf32>,
            tpu.vector_store %arg6[%swap3A_486], %broadcast_in_dim3A_410 {strides = array<i32>} : memref<70000xf32, #tpu.memory_space<vmem>>, vector<16xf32>,
            %add3A_488 = arith.constant 1 : i32
            %add3A_489 = vector.broadcast %add3A_488 : i32 to vector<16xi32>
            %add3A_490 = arith.addi %mul3A_467, %add3A_489 : vector<16xi32>
            %mul3A_491 = arith.mulf %get3A_483, %div3A_416 : vector<16xf32>
            tpu.vector_store_idx %arg7[%add3A_490], %mul3A_491 : memref<20000xf32, #tpu.memory_space<vmem>>[vector<16xi32>], vector<16xf32>,
            %add3A_492 = arith.constant 20000 : i32
            %add3A_493 = arith.addi %add3A_492, %add3A_408 : i32
            %get3A_494 = arith.index_cast %add3A_493 : i32 to index
            %get3A_495 = tpu.vector_load %arg6[%get3A_494] {strides = array<i32>} : memref<70000xf32, #tpu.memory_space<vmem>>, vector<16xf32>,
            %add3A_496 = arith.constant 20000 : i32
            %add3A_497 = arith.addi %add3A_496, %add3A_408 : i32
            %swap3A_498 = arith.index_cast %add3A_497 : i32 to index
            %swap3A_499 = tpu.vector_load %arg6[%swap3A_498] {strides = array<i32>} : memref<70000xf32, #tpu.memory_space<vmem>>, vector<16xf32>,
            tpu.vector_store %arg6[%swap3A_498], %broadcast_in_dim3A_410 {strides = array<i32>} : memref<70000xf32, #tpu.memory_space<vmem>>, vector<16xf32>,
            %add3A_500 = arith.constant 2 : i32
            %add3A_501 = vector.broadcast %add3A_500 : i32 to vector<16xi32>
            %add3A_502 = arith.addi %mul3A_467, %add3A_501 : vector<16xi32>
            %mul3A_503 = arith.mulf %get3A_495, %div3A_416 : vector<16xf32>
            tpu.vector_store_idx %arg7[%add3A_502], %mul3A_503 : memref<20000xf32, #tpu.memory_space<vmem>>[vector<16xi32>], vector<16xf32>,
            %add3A_504 = arith.constant 30000 : i32
            %add3A_505 = arith.addi %add3A_504, %add3A_408 : i32
            %get3A_506 = arith.index_cast %add3A_505 : i32 to index
            %get3A_507 = tpu.vector_load %arg6[%get3A_506] {strides = array<i32>} : memref<70000xf32, #tpu.memory_space<vmem>>, vector<16xf32>,
            %add3A_508 = arith.constant 30000 : i32
            %add3A_509 = arith.addi %add3A_508, %add3A_408 : i32
            %swap3A_510 = arith.index_cast %add3A_509 : i32 to index
            %swap3A_511 = tpu.vector_load %arg6[%swap3A_510] {strides = array<i32>} : memref<70000xf32, #tpu.memory_space<vmem>>, vector<16xf32>,
            tpu.vector_store %arg6[%swap3A_510], %broadcast_in_dim3A_410 {strides = array<i32>} : memref<70000xf32, #tpu.memory_space<vmem>>, vector<16xf32>,
            %add3A_512 = arith.constant 3 : i32
            %add3A_513 = vector.broadcast %add3A_512 : i32 to vector<16xi32>
            %add3A_514 = arith.addi %mul3A_467, %add3A_513 : vector<16xi32>
            %mul3A_515 = arith.mulf %get3A_507, %div3A_416 : vector<16xf32>
            tpu.vector_store_idx %arg7[%add3A_514], %mul3A_515 : memref<20000xf32, #tpu.memory_space<vmem>>[vector<16xi32>], vector<16xf32>,
            %add3A_516 = arith.constant 40000 : i32
            %add3A_517 = arith.addi %add3A_516, %add3A_408 : i32
            %get3A_518 = arith.index_cast %add3A_517 : i32 to index
            %get3A_519 = tpu.vector_load %arg6[%get3A_518] {strides = array<i32>} : memref<70000xf32, #tpu.memory_space<vmem>>, vector<16xf32>,
            %add3A_520 = arith.constant 40000 : i32
            %add3A_521 = arith.addi %add3A_520, %add3A_408 : i32
            %swap3A_522 = arith.index_cast %add3A_521 : i32 to index
            %swap3A_523 = tpu.vector_load %arg6[%swap3A_522] {strides = array<i32>} : memref<70000xf32, #tpu.memory_space<vmem>>, vector<16xf32>,
            tpu.vector_store %arg6[%swap3A_522], %broadcast_in_dim3A_410 {strides = array<i32>} : memref<70000xf32, #tpu.memory_space<vmem>>, vector<16xf32>,
            %add3A_524 = arith.constant 4 : i32
            %add3A_525 = vector.broadcast %add3A_524 : i32 to vector<16xi32>
            %add3A_526 = arith.addi %mul3A_467, %add3A_525 : vector<16xi32>
            %mul3A_527 = arith.mulf %get3A_519, %div3A_416 : vector<16xf32>
            tpu.vector_store_idx %arg7[%add3A_526], %mul3A_527 : memref<20000xf32, #tpu.memory_space<vmem>>[vector<16xi32>], vector<16xf32>,
            %add3A_528 = arith.constant 50000 : i32
            %add3A_529 = arith.addi %add3A_528, %add3A_408 : i32
            %get3A_530 = arith.index_cast %add3A_529 : i32 to index
            %get3A_531 = tpu.vector_load %arg6[%get3A_530] {strides = array<i32>} : memref<70000xf32, #tpu.memory_space<vmem>>, vector<16xf32>,
            %add3A_532 = arith.constant 50000 : i32
            %add3A_533 = arith.addi %add3A_532, %add3A_408 : i32
            %swap3A_534 = arith.index_cast %add3A_533 : i32 to index
            %swap3A_535 = tpu.vector_load %arg6[%swap3A_534] {strides = array<i32>} : memref<70000xf32, #tpu.memory_space<vmem>>, vector<16xf32>,
            tpu.vector_store %arg6[%swap3A_534], %broadcast_in_dim3A_410 {strides = array<i32>} : memref<70000xf32, #tpu.memory_space<vmem>>, vector<16xf32>,
            %add3A_536 = arith.constant 5 : i32
            %add3A_537 = vector.broadcast %add3A_536 : i32 to vector<16xi32>
            %add3A_538 = arith.addi %mul3A_467, %add3A_537 : vector<16xi32>
            %mul3A_539 = arith.mulf %get3A_531, %div3A_416 : vector<16xf32>
            tpu.vector_store_idx %arg7[%add3A_538], %mul3A_539 : memref<20000xf32, #tpu.memory_space<vmem>>[vector<16xi32>], vector<16xf32>,
            %add3A_540 = arith.constant 60000 : i32
            %add3A_541 = arith.addi %add3A_540, %add3A_408 : i32
            %swap3A_542 = arith.index_cast %add3A_541 : i32 to index
            %swap3A_543 = tpu.vector_load %arg6[%swap3A_542] {strides = array<i32>} : memref<70000xf32, #tpu.memory_space<vmem>>, vector<16xf32>,
            tpu.vector_store %arg6[%swap3A_542], %broadcast_in_dim3A_410 {strides = array<i32>} : memref<70000xf32, #tpu.memory_space<vmem>>, vector<16xf32>,
            %add3A_544 = arith.constant 6 : i32
            %add3A_545 = vector.broadcast %add3A_544 : i32 to vector<16xi32>
            %add3A_546 = arith.addi %mul3A_467, %add3A_545 : vector<16xi32>
            %broadcast_in_dim3A_547 = vector.broadcast %mul3A_68 : f32 to vector<16xf32>
            tpu.vector_store_idx %arg7[%add3A_546], %broadcast_in_dim3A_547 : memref<20000xf32, #tpu.memory_space<vmem>>[vector<16xi32>], vector<16xf32>,
            %add3A_548 = arith.constant 7 : i32
            %add3A_549 = vector.broadcast %add3A_548 : i32 to vector<16xi32>
            %add3A_550 = arith.addi %mul3A_467, %add3A_549 : vector<16xi32>
            tpu.vector_store_idx %arg7[%add3A_550], %mul3A_458 : memref<20000xf32, #tpu.memory_space<vmem>>[vector<16xi32>], vector<16xf32>,
            %add3A_551 = arith.constant 8 : i32
            %add3A_552 = vector.broadcast %add3A_551 : i32 to vector<16xi32>
            %add3A_553 = arith.addi %mul3A_467, %add3A_552 : vector<16xi32>
            tpu.vector_store_idx %arg7[%add3A_553], %mul3A_462 : memref<20000xf32, #tpu.memory_space<vmem>>[vector<16xi32>], vector<16xf32>,
            %add3A_554 = arith.constant 9 : i32
            %add3A_555 = vector.broadcast %add3A_554 : i32 to vector<16xi32>
            %add3A_556 = arith.addi %mul3A_467, %add3A_555 : vector<16xi32>
            tpu.vector_store_idx %arg7[%add3A_556], %min3A_417 : memref<20000xf32, #tpu.memory_space<vmem>>[vector<16xi32>], vector<16xf32>,
            %scan3A_557 = arith.constant 3 : i32
            %scan3A_558 = arith.addi %scan3A_91, %scan3A_557 : i32
            %mul3A_559 = arith.constant 1 : i32
            %mul3A_560 = arith.muli %scan3A_558, %mul3A_559 : i32
            %add3A_561 = arith.constant 0 : i32
            %add3A_562 = arith.addi %add3A_561, %mul3A_560 : i32
            %mul3A_563 = arith.constant 16 : i32
            %mul3A_564 = arith.muli %add3A_562, %mul3A_563 : i32
            %add3A_565 = arith.addi %mul3A_80, %mul3A_564 : i32
            %broadcast_in_dim3A_566 = arith.constant 0.000000e+00 : f32
            %broadcast_in_dim3A_567 = vector.broadcast %broadcast_in_dim3A_566 : f32 to vector<16xf32>
            %add3A_568 = arith.constant 60000 : i32
            %add3A_569 = arith.addi %add3A_568, %add3A_565 : i32
            %get3A_570 = arith.index_cast %add3A_569 : i32 to index
            %get3A_571 = tpu.vector_load %arg6[%get3A_570] {strides = array<i32>} : memref<70000xf32, #tpu.memory_space<vmem>>, vector<16xf32>,
            %max3A_572 = arith.maximumf %get3A_571, %broadcast_in_dim3A_1 : vector<16xf32>
            %div3A_573 = arith.divf %broadcast_in_dim3A_1, %max3A_572 : vector<16xf32>
            %min3A_574 = arith.minimumf %get3A_571, %broadcast_in_dim3A_1 : vector<16xf32>
            %add3A_575 = vector.broadcast %add3A_565 : i32 to vector<16xi32>
            %add3A_576 = arith.addi %iota3A, %add3A_575 : vector<16xi32>
            %jit3A_577 = arith.constant 100 : i32
            %div3A_578 = vector.broadcast %jit3A_577 : i32 to vector<16xi32>
            %div3A_579 = arith.divsi %add3A_576, %div3A_578 : vector<16xi32>
            %sign3A_580 = arith.constant 0 : i32
            %sign3A_581 = vector.broadcast %sign3A_580 : i32 to vector<16xi32>
            %sign3A_582 = arith.cmpi sgt, %add3A_576, %sign3A_581 : vector<16xi32>
            %sign3A_583 = arith.extui %sign3A_582 : vector<16xi1> to vector<16xi32>
            %sign3A_584 = arith.constant 0 : i32
            %sign3A_585 = vector.broadcast %sign3A_584 : i32 to vector<16xi32>
            %sign3A_586 = arith.cmpi slt, %add3A_576, %sign3A_585 : vector<16xi32>
            %sign3A_587 = arith.extui %sign3A_586 : vector<16xi1> to vector<16xi32>
            %sign3A_588 = arith.subi %sign3A_583, %sign3A_587 : vector<16xi32>
            %sign3A_589 = arith.constant 0 : i32
            %sign3A_590 = arith.cmpi sgt, %jit3A_577, %sign3A_589 : i32
            %sign3A_591 = arith.extui %sign3A_590 : i1 to i32
            %sign3A_592 = arith.constant 0 : i32
            %sign3A_593 = arith.cmpi slt, %jit3A_577, %sign3A_592 : i32
            %sign3A_594 = arith.extui %sign3A_593 : i1 to i32
            %sign3A_595 = arith.subi %sign3A_591, %sign3A_594 : i32
            %ne3A_596 = vector.broadcast %sign3A_595 : i32 to vector<16xi32>
            %ne3A_597 = arith.cmpi ne, %sign3A_588, %ne3A_596 : vector<16xi32>
            %rem3A_598 = vector.broadcast %jit3A_577 : i32 to vector<16xi32>
            %rem3A_599 = arith.remsi %add3A_576, %rem3A_598 : vector<16xi32>
            %ne3A_600 = arith.constant 0 : i32
            %ne3A_601 = vector.broadcast %ne3A_600 : i32 to vector<16xi32>
            %ne3A_602 = arith.cmpi ne, %rem3A_599, %ne3A_601 : vector<16xi32>
            %and3A_603 = arith.andi %ne3A_597, %ne3A_602 : vector<16xi1>
            %sub3A_604 = arith.constant 1 : i32
            %sub3A_605 = vector.broadcast %sub3A_604 : i32 to vector<16xi32>
            %sub3A_606 = arith.subi %div3A_579, %sub3A_605 : vector<16xi32>
            %select_n3A_607 = arith.select %and3A_603, %sub3A_606, %div3A_579 : vector<16xi1>, vector<16xi32>
            %mul3A_608 = arith.constant 100 : i32
            %mul3A_609 = vector.broadcast %mul3A_608 : i32 to vector<16xi32>
            %mul3A_610 = arith.muli %select_n3A_607, %mul3A_609 : vector<16xi32>
            %sub3A_611 = arith.subi %add3A_576, %mul3A_610 : vector<16xi32>
            %convert_element_type3A_612 = arith.sitofp %select_n3A_607 : vector<16xi32> to vector<16xf32>
            %mul3A_613 = arith.constant 0.00999999977 : f32
            %mul3A_614 = vector.broadcast %mul3A_613 : f32 to vector<16xf32>
            %mul3A_615 = arith.mulf %convert_element_type3A_612, %mul3A_614 : vector<16xf32>
            %convert_element_type3A_616 = arith.sitofp %sub3A_611 : vector<16xi32> to vector<16xf32>
            %mul3A_617 = arith.constant 0.00999999977 : f32
            %mul3A_618 = vector.broadcast %mul3A_617 : f32 to vector<16xf32>
            %mul3A_619 = arith.mulf %convert_element_type3A_616, %mul3A_618 : vector<16xf32>
            %sub3A_620 = vector.broadcast %mul3A_80 : i32 to vector<16xi32>
            %sub3A_621 = arith.subi %add3A_576, %sub3A_620 : vector<16xi32>
            %mul3A_622 = arith.constant 10 : i32
            %mul3A_623 = vector.broadcast %mul3A_622 : i32 to vector<16xi32>
            %mul3A_624 = arith.muli %sub3A_621, %mul3A_623 : vector<16xi32>
            %add3A_625 = arith.constant 0 : i32
            %add3A_626 = arith.addi %add3A_625, %add3A_565 : i32
            %get3A_627 = arith.index_cast %add3A_626 : i32 to index
            %get3A_628 = tpu.vector_load %arg6[%get3A_627] {strides = array<i32>} : memref<70000xf32, #tpu.memory_space<vmem>>, vector<16xf32>,
            %add3A_629 = arith.constant 0 : i32
            %add3A_630 = arith.addi %add3A_629, %add3A_565 : i32
            %swap3A_631 = arith.index_cast %add3A_630 : i32 to index
            %swap3A_632 = tpu.vector_load %arg6[%swap3A_631] {strides = array<i32>} : memref<70000xf32, #tpu.memory_space<vmem>>, vector<16xf32>,
            tpu.vector_store %arg6[%swap3A_631], %broadcast_in_dim3A_567 {strides = array<i32>} : memref<70000xf32, #tpu.memory_space<vmem>>, vector<16xf32>,
            %add3A_633 = arith.constant 0 : i32
            %add3A_634 = vector.broadcast %add3A_633 : i32 to vector<16xi32>
            %add3A_635 = arith.addi %mul3A_624, %add3A_634 : vector<16xi32>
            %mul3A_636 = arith.mulf %get3A_628, %div3A_573 : vector<16xf32>
            tpu.vector_store_idx %arg7[%add3A_635], %mul3A_636 : memref<20000xf32, #tpu.memory_space<vmem>>[vector<16xi32>], vector<16xf32>,
            %add3A_637 = arith.constant 10000 : i32
            %add3A_638 = arith.addi %add3A_637, %add3A_565 : i32
            %get3A_639 = arith.index_cast %add3A_638 : i32 to index
            %get3A_640 = tpu.vector_load %arg6[%get3A_639] {strides = array<i32>} : memref<70000xf32, #tpu.memory_space<vmem>>, vector<16xf32>,
            %add3A_641 = arith.constant 10000 : i32
            %add3A_642 = arith.addi %add3A_641, %add3A_565 : i32
            %swap3A_643 = arith.index_cast %add3A_642 : i32 to index
            %swap3A_644 = tpu.vector_load %arg6[%swap3A_643] {strides = array<i32>} : memref<70000xf32, #tpu.memory_space<vmem>>, vector<16xf32>,
            tpu.vector_store %arg6[%swap3A_643], %broadcast_in_dim3A_567 {strides = array<i32>} : memref<70000xf32, #tpu.memory_space<vmem>>, vector<16xf32>,
            %add3A_645 = arith.constant 1 : i32
            %add3A_646 = vector.broadcast %add3A_645 : i32 to vector<16xi32>
            %add3A_647 = arith.addi %mul3A_624, %add3A_646 : vector<16xi32>
            %mul3A_648 = arith.mulf %get3A_640, %div3A_573 : vector<16xf32>
            tpu.vector_store_idx %arg7[%add3A_647], %mul3A_648 : memref<20000xf32, #tpu.memory_space<vmem>>[vector<16xi32>], vector<16xf32>,
            %add3A_649 = arith.constant 20000 : i32
            %add3A_650 = arith.addi %add3A_649, %add3A_565 : i32
            %get3A_651 = arith.index_cast %add3A_650 : i32 to index
            %get3A_652 = tpu.vector_load %arg6[%get3A_651] {strides = array<i32>} : memref<70000xf32, #tpu.memory_space<vmem>>, vector<16xf32>,
            %add3A_653 = arith.constant 20000 : i32
            %add3A_654 = arith.addi %add3A_653, %add3A_565 : i32
            %swap3A_655 = arith.index_cast %add3A_654 : i32 to index
            %swap3A_656 = tpu.vector_load %arg6[%swap3A_655] {strides = array<i32>} : memref<70000xf32, #tpu.memory_space<vmem>>, vector<16xf32>,
            tpu.vector_store %arg6[%swap3A_655], %broadcast_in_dim3A_567 {strides = array<i32>} : memref<70000xf32, #tpu.memory_space<vmem>>, vector<16xf32>,
            %add3A_657 = arith.constant 2 : i32
            %add3A_658 = vector.broadcast %add3A_657 : i32 to vector<16xi32>
            %add3A_659 = arith.addi %mul3A_624, %add3A_658 : vector<16xi32>
            %mul3A_660 = arith.mulf %get3A_652, %div3A_573 : vector<16xf32>
            tpu.vector_store_idx %arg7[%add3A_659], %mul3A_660 : memref<20000xf32, #tpu.memory_space<vmem>>[vector<16xi32>], vector<16xf32>,
            %add3A_661 = arith.constant 30000 : i32
            %add3A_662 = arith.addi %add3A_661, %add3A_565 : i32
            %get3A_663 = arith.index_cast %add3A_662 : i32 to index
            %get3A_664 = tpu.vector_load %arg6[%get3A_663] {strides = array<i32>} : memref<70000xf32, #tpu.memory_space<vmem>>, vector<16xf32>,
            %add3A_665 = arith.constant 30000 : i32
            %add3A_666 = arith.addi %add3A_665, %add3A_565 : i32
            %swap3A_667 = arith.index_cast %add3A_666 : i32 to index
            %swap3A_668 = tpu.vector_load %arg6[%swap3A_667] {strides = array<i32>} : memref<70000xf32, #tpu.memory_space<vmem>>, vector<16xf32>,
            tpu.vector_store %arg6[%swap3A_667], %broadcast_in_dim3A_567 {strides = array<i32>} : memref<70000xf32, #tpu.memory_space<vmem>>, vector<16xf32>,
            %add3A_669 = arith.constant 3 : i32
            %add3A_670 = vector.broadcast %add3A_669 : i32 to vector<16xi32>
            %add3A_671 = arith.addi %mul3A_624, %add3A_670 : vector<16xi32>
            %mul3A_672 = arith.mulf %get3A_664, %div3A_573 : vector<16xf32>
            tpu.vector_store_idx %arg7[%add3A_671], %mul3A_672 : memref<20000xf32, #tpu.memory_space<vmem>>[vector<16xi32>], vector<16xf32>,
            %add3A_673 = arith.constant 40000 : i32
            %add3A_674 = arith.addi %add3A_673, %add3A_565 : i32
            %get3A_675 = arith.index_cast %add3A_674 : i32 to index
            %get3A_676 = tpu.vector_load %arg6[%get3A_675] {strides = array<i32>} : memref<70000xf32, #tpu.memory_space<vmem>>, vector<16xf32>,
            %add3A_677 = arith.constant 40000 : i32
            %add3A_678 = arith.addi %add3A_677, %add3A_565 : i32
            %swap3A_679 = arith.index_cast %add3A_678 : i32 to index
            %swap3A_680 = tpu.vector_load %arg6[%swap3A_679] {strides = array<i32>} : memref<70000xf32, #tpu.memory_space<vmem>>, vector<16xf32>,
            tpu.vector_store %arg6[%swap3A_679], %broadcast_in_dim3A_567 {strides = array<i32>} : memref<70000xf32, #tpu.memory_space<vmem>>, vector<16xf32>,
            %add3A_681 = arith.constant 4 : i32
            %add3A_682 = vector.broadcast %add3A_681 : i32 to vector<16xi32>
            %add3A_683 = arith.addi %mul3A_624, %add3A_682 : vector<16xi32>
            %mul3A_684 = arith.mulf %get3A_676, %div3A_573 : vector<16xf32>
            tpu.vector_store_idx %arg7[%add3A_683], %mul3A_684 : memref<20000xf32, #tpu.memory_space<vmem>>[vector<16xi32>], vector<16xf32>,
            %add3A_685 = arith.constant 50000 : i32
            %add3A_686 = arith.addi %add3A_685, %add3A_565 : i32
            %get3A_687 = arith.index_cast %add3A_686 : i32 to index
            %get3A_688 = tpu.vector_load %arg6[%get3A_687] {strides = array<i32>} : memref<70000xf32, #tpu.memory_space<vmem>>, vector<16xf32>,
            %add3A_689 = arith.constant 50000 : i32
            %add3A_690 = arith.addi %add3A_689, %add3A_565 : i32
            %swap3A_691 = arith.index_cast %add3A_690 : i32 to index
            %swap3A_692 = tpu.vector_load %arg6[%swap3A_691] {strides = array<i32>} : memref<70000xf32, #tpu.memory_space<vmem>>, vector<16xf32>,
            tpu.vector_store %arg6[%swap3A_691], %broadcast_in_dim3A_567 {strides = array<i32>} : memref<70000xf32, #tpu.memory_space<vmem>>, vector<16xf32>,
            %add3A_693 = arith.constant 5 : i32
            %add3A_694 = vector.broadcast %add3A_693 : i32 to vector<16xi32>
            %add3A_695 = arith.addi %mul3A_624, %add3A_694 : vector<16xi32>
            %mul3A_696 = arith.mulf %get3A_688, %div3A_573 : vector<16xf32>
            tpu.vector_store_idx %arg7[%add3A_695], %mul3A_696 : memref<20000xf32, #tpu.memory_space<vmem>>[vector<16xi32>], vector<16xf32>,
            %add3A_697 = arith.constant 60000 : i32
            %add3A_698 = arith.addi %add3A_697, %add3A_565 : i32
            %swap3A_699 = arith.index_cast %add3A_698 : i32 to index
            %swap3A_700 = tpu.vector_load %arg6[%swap3A_699] {strides = array<i32>} : memref<70000xf32, #tpu.memory_space<vmem>>, vector<16xf32>,
            tpu.vector_store %arg6[%swap3A_699], %broadcast_in_dim3A_567 {strides = array<i32>} : memref<70000xf32, #tpu.memory_space<vmem>>, vector<16xf32>,
            %add3A_701 = arith.constant 6 : i32
            %add3A_702 = vector.broadcast %add3A_701 : i32 to vector<16xi32>
            %add3A_703 = arith.addi %mul3A_624, %add3A_702 : vector<16xi32>
            %broadcast_in_dim3A_704 = vector.broadcast %mul3A_68 : f32 to vector<16xf32>
            tpu.vector_store_idx %arg7[%add3A_703], %broadcast_in_dim3A_704 : memref<20000xf32, #tpu.memory_space<vmem>>[vector<16xi32>], vector<16xf32>,
            %add3A_705 = arith.constant 7 : i32
            %add3A_706 = vector.broadcast %add3A_705 : i32 to vector<16xi32>
            %add3A_707 = arith.addi %mul3A_624, %add3A_706 : vector<16xi32>
            tpu.vector_store_idx %arg7[%add3A_707], %mul3A_615 : memref<20000xf32, #tpu.memory_space<vmem>>[vector<16xi32>], vector<16xf32>,
            %add3A_708 = arith.constant 8 : i32
            %add3A_709 = vector.broadcast %add3A_708 : i32 to vector<16xi32>
            %add3A_710 = arith.addi %mul3A_624, %add3A_709 : vector<16xi32>
            tpu.vector_store_idx %arg7[%add3A_710], %mul3A_619 : memref<20000xf32, #tpu.memory_space<vmem>>[vector<16xi32>], vector<16xf32>,
            %add3A_711 = arith.constant 9 : i32
            %add3A_712 = vector.broadcast %add3A_711 : i32 to vector<16xi32>
            %add3A_713 = arith.addi %mul3A_624, %add3A_712 : vector<16xi32>
            tpu.vector_store_idx %arg7[%add3A_713], %min3A_574 : memref<20000xf32, #tpu.memory_space<vmem>>[vector<16xi32>], vector<16xf32>,
            %scan3A_714 = arith.constant 4 : i32
            %scan3A_715 = arith.addi %scan3A_91, %scan3A_714 : i32
            %mul3A_716 = arith.constant 1 : i32
            %mul3A_717 = arith.muli %scan3A_715, %mul3A_716 : i32
            %add3A_718 = arith.constant 0 : i32
            %add3A_719 = arith.addi %add3A_718, %mul3A_717 : i32
            %mul3A_720 = arith.constant 16 : i32
            %mul3A_721 = arith.muli %add3A_719, %mul3A_720 : i32
            %add3A_722 = arith.addi %mul3A_80, %mul3A_721 : i32
            %broadcast_in_dim3A_723 = arith.constant 0.000000e+00 : f32
            %broadcast_in_dim3A_724 = vector.broadcast %broadcast_in_dim3A_723 : f32 to vector<16xf32>
            %add3A_725 = arith.constant 60000 : i32
            %add3A_726 = arith.addi %add3A_725, %add3A_722 : i32
            %get3A_727 = arith.index_cast %add3A_726 : i32 to index
            %get3A_728 = tpu.vector_load %arg6[%get3A_727] {strides = array<i32>} : memref<70000xf32, #tpu.memory_space<vmem>>, vector<16xf32>,
            %max3A_729 = arith.maximumf %get3A_728, %broadcast_in_dim3A_1 : vector<16xf32>
            %div3A_730 = arith.divf %broadcast_in_dim3A_1, %max3A_729 : vector<16xf32>
            %min3A_731 = arith.minimumf %get3A_728, %broadcast_in_dim3A_1 : vector<16xf32>
            %add3A_732 = vector.broadcast %add3A_722 : i32 to vector<16xi32>
            %add3A_733 = arith.addi %iota3A, %add3A_732 : vector<16xi32>
            %jit3A_734 = arith.constant 100 : i32
            %div3A_735 = vector.broadcast %jit3A_734 : i32 to vector<16xi32>
            %div3A_736 = arith.divsi %add3A_733, %div3A_735 : vector<16xi32>
            %sign3A_737 = arith.constant 0 : i32
            %sign3A_738 = vector.broadcast %sign3A_737 : i32 to vector<16xi32>
            %sign3A_739 = arith.cmpi sgt, %add3A_733, %sign3A_738 : vector<16xi32>
            %sign3A_740 = arith.extui %sign3A_739 : vector<16xi1> to vector<16xi32>
            %sign3A_741 = arith.constant 0 : i32
            %sign3A_742 = vector.broadcast %sign3A_741 : i32 to vector<16xi32>
            %sign3A_743 = arith.cmpi slt, %add3A_733, %sign3A_742 : vector<16xi32>
            %sign3A_744 = arith.extui %sign3A_743 : vector<16xi1> to vector<16xi32>
            %sign3A_745 = arith.subi %sign3A_740, %sign3A_744 : vector<16xi32>
            %sign3A_746 = arith.constant 0 : i32
            %sign3A_747 = arith.cmpi sgt, %jit3A_734, %sign3A_746 : i32
            %sign3A_748 = arith.extui %sign3A_747 : i1 to i32
            %sign3A_749 = arith.constant 0 : i32
            %sign3A_750 = arith.cmpi slt, %jit3A_734, %sign3A_749 : i32
            %sign3A_751 = arith.extui %sign3A_750 : i1 to i32
            %sign3A_752 = arith.subi %sign3A_748, %sign3A_751 : i32
            %ne3A_753 = vector.broadcast %sign3A_752 : i32 to vector<16xi32>
            %ne3A_754 = arith.cmpi ne, %sign3A_745, %ne3A_753 : vector<16xi32>
            %rem3A_755 = vector.broadcast %jit3A_734 : i32 to vector<16xi32>
            %rem3A_756 = arith.remsi %add3A_733, %rem3A_755 : vector<16xi32>
            %ne3A_757 = arith.constant 0 : i32
            %ne3A_758 = vector.broadcast %ne3A_757 : i32 to vector<16xi32>
            %ne3A_759 = arith.cmpi ne, %rem3A_756, %ne3A_758 : vector<16xi32>
            %and3A_760 = arith.andi %ne3A_754, %ne3A_759 : vector<16xi1>
            %sub3A_761 = arith.constant 1 : i32
            %sub3A_762 = vector.broadcast %sub3A_761 : i32 to vector<16xi32>
            %sub3A_763 = arith.subi %div3A_736, %sub3A_762 : vector<16xi32>
            %select_n3A_764 = arith.select %and3A_760, %sub3A_763, %div3A_736 : vector<16xi1>, vector<16xi32>
            %mul3A_765 = arith.constant 100 : i32
            %mul3A_766 = vector.broadcast %mul3A_765 : i32 to vector<16xi32>
            %mul3A_767 = arith.muli %select_n3A_764, %mul3A_766 : vector<16xi32>
            %sub3A_768 = arith.subi %add3A_733, %mul3A_767 : vector<16xi32>
            %convert_element_type3A_769 = arith.sitofp %select_n3A_764 : vector<16xi32> to vector<16xf32>
            %mul3A_770 = arith.constant 0.00999999977 : f32
            %mul3A_771 = vector.broadcast %mul3A_770 : f32 to vector<16xf32>
            %mul3A_772 = arith.mulf %convert_element_type3A_769, %mul3A_771 : vector<16xf32>
            %convert_element_type3A_773 = arith.sitofp %sub3A_768 : vector<16xi32> to vector<16xf32>
            %mul3A_774 = arith.constant 0.00999999977 : f32
            %mul3A_775 = vector.broadcast %mul3A_774 : f32 to vector<16xf32>
            %mul3A_776 = arith.mulf %convert_element_type3A_773, %mul3A_775 : vector<16xf32>
            %sub3A_777 = vector.broadcast %mul3A_80 : i32 to vector<16xi32>
            %sub3A_778 = arith.subi %add3A_733, %sub3A_777 : vector<16xi32>
            %mul3A_779 = arith.constant 10 : i32
            %mul3A_780 = vector.broadcast %mul3A_779 : i32 to vector<16xi32>
            %mul3A_781 = arith.muli %sub3A_778, %mul3A_780 : vector<16xi32>
            %add3A_782 = arith.constant 0 : i32
            %add3A_783 = arith.addi %add3A_782, %add3A_722 : i32
            %get3A_784 = arith.index_cast %add3A_783 : i32 to index
            %get3A_785 = tpu.vector_load %arg6[%get3A_784] {strides = array<i32>} : memref<70000xf32, #tpu.memory_space<vmem>>, vector<16xf32>,
            %add3A_786 = arith.constant 0 : i32
            %add3A_787 = arith.addi %add3A_786, %add3A_722 : i32
            %swap3A_788 = arith.index_cast %add3A_787 : i32 to index
            %swap3A_789 = tpu.vector_load %arg6[%swap3A_788] {strides = array<i32>} : memref<70000xf32, #tpu.memory_space<vmem>>, vector<16xf32>,
            tpu.vector_store %arg6[%swap3A_788], %broadcast_in_dim3A_724 {strides = array<i32>} : memref<70000xf32, #tpu.memory_space<vmem>>, vector<16xf32>,
            %add3A_790 = arith.constant 0 : i32
            %add3A_791 = vector.broadcast %add3A_790 : i32 to vector<16xi32>
            %add3A_792 = arith.addi %mul3A_781, %add3A_791 : vector<16xi32>
            %mul3A_793 = arith.mulf %get3A_785, %div3A_730 : vector<16xf32>
            tpu.vector_store_idx %arg7[%add3A_792], %mul3A_793 : memref<20000xf32, #tpu.memory_space<vmem>>[vector<16xi32>], vector<16xf32>,
            %add3A_794 = arith.constant 10000 : i32
            %add3A_795 = arith.addi %add3A_794, %add3A_722 : i32
            %get3A_796 = arith.index_cast %add3A_795 : i32 to index
            %get3A_797 = tpu.vector_load %arg6[%get3A_796] {strides = array<i32>} : memref<70000xf32, #tpu.memory_space<vmem>>, vector<16xf32>,
            %add3A_798 = arith.constant 10000 : i32
            %add3A_799 = arith.addi %add3A_798, %add3A_722 : i32
            %swap3A_800 = arith.index_cast %add3A_799 : i32 to index
            %swap3A_801 = tpu.vector_load %arg6[%swap3A_800] {strides = array<i32>} : memref<70000xf32, #tpu.memory_space<vmem>>, vector<16xf32>,
            tpu.vector_store %arg6[%swap3A_800], %broadcast_in_dim3A_724 {strides = array<i32>} : memref<70000xf32, #tpu.memory_space<vmem>>, vector<16xf32>,
            %add3A_802 = arith.constant 1 : i32
            %add3A_803 = vector.broadcast %add3A_802 : i32 to vector<16xi32>
            %add3A_804 = arith.addi %mul3A_781, %add3A_803 : vector<16xi32>
            %mul3A_805 = arith.mulf %get3A_797, %div3A_730 : vector<16xf32>
            tpu.vector_store_idx %arg7[%add3A_804], %mul3A_805 : memref<20000xf32, #tpu.memory_space<vmem>>[vector<16xi32>], vector<16xf32>,
            %add3A_806 = arith.constant 20000 : i32
            %add3A_807 = arith.addi %add3A_806, %add3A_722 : i32
            %get3A_808 = arith.index_cast %add3A_807 : i32 to index
            %get3A_809 = tpu.vector_load %arg6[%get3A_808] {strides = array<i32>} : memref<70000xf32, #tpu.memory_space<vmem>>, vector<16xf32>,
            %add3A_810 = arith.constant 20000 : i32
            %add3A_811 = arith.addi %add3A_810, %add3A_722 : i32
            %swap3A_812 = arith.index_cast %add3A_811 : i32 to index
            %swap3A_813 = tpu.vector_load %arg6[%swap3A_812] {strides = array<i32>} : memref<70000xf32, #tpu.memory_space<vmem>>, vector<16xf32>,
            tpu.vector_store %arg6[%swap3A_812], %broadcast_in_dim3A_724 {strides = array<i32>} : memref<70000xf32, #tpu.memory_space<vmem>>, vector<16xf32>,
            %add3A_814 = arith.constant 2 : i32
            %add3A_815 = vector.broadcast %add3A_814 : i32 to vector<16xi32>
            %add3A_816 = arith.addi %mul3A_781, %add3A_815 : vector<16xi32>
            %mul3A_817 = arith.mulf %get3A_809, %div3A_730 : vector<16xf32>
            tpu.vector_store_idx %arg7[%add3A_816], %mul3A_817 : memref<20000xf32, #tpu.memory_space<vmem>>[vector<16xi32>], vector<16xf32>,
            %add3A_818 = arith.constant 30000 : i32
            %add3A_819 = arith.addi %add3A_818, %add3A_722 : i32
            %get3A_820 = arith.index_cast %add3A_819 : i32 to index
            %get3A_821 = tpu.vector_load %arg6[%get3A_820] {strides = array<i32>} : memref<70000xf32, #tpu.memory_space<vmem>>, vector<16xf32>,
            %add3A_822 = arith.constant 30000 : i32
            %add3A_823 = arith.addi %add3A_822, %add3A_722 : i32
            %swap3A_824 = arith.index_cast %add3A_823 : i32 to index
            %swap3A_825 = tpu.vector_load %arg6[%swap3A_824] {strides = array<i32>} : memref<70000xf32, #tpu.memory_space<vmem>>, vector<16xf32>,
            tpu.vector_store %arg6[%swap3A_824], %broadcast_in_dim3A_724 {strides = array<i32>} : memref<70000xf32, #tpu.memory_space<vmem>>, vector<16xf32>,
            %add3A_826 = arith.constant 3 : i32
            %add3A_827 = vector.broadcast %add3A_826 : i32 to vector<16xi32>
            %add3A_828 = arith.addi %mul3A_781, %add3A_827 : vector<16xi32>
            %mul3A_829 = arith.mulf %get3A_821, %div3A_730 : vector<16xf32>
            tpu.vector_store_idx %arg7[%add3A_828], %mul3A_829 : memref<20000xf32, #tpu.memory_space<vmem>>[vector<16xi32>], vector<16xf32>,
            %add3A_830 = arith.constant 40000 : i32
            %add3A_831 = arith.addi %add3A_830, %add3A_722 : i32
            %get3A_832 = arith.index_cast %add3A_831 : i32 to index
            %get3A_833 = tpu.vector_load %arg6[%get3A_832] {strides = array<i32>} : memref<70000xf32, #tpu.memory_space<vmem>>, vector<16xf32>,
            %add3A_834 = arith.constant 40000 : i32
            %add3A_835 = arith.addi %add3A_834, %add3A_722 : i32
            %swap3A_836 = arith.index_cast %add3A_835 : i32 to index
            %swap3A_837 = tpu.vector_load %arg6[%swap3A_836] {strides = array<i32>} : memref<70000xf32, #tpu.memory_space<vmem>>, vector<16xf32>,
            tpu.vector_store %arg6[%swap3A_836], %broadcast_in_dim3A_724 {strides = array<i32>} : memref<70000xf32, #tpu.memory_space<vmem>>, vector<16xf32>,
            %add3A_838 = arith.constant 4 : i32
            %add3A_839 = vector.broadcast %add3A_838 : i32 to vector<16xi32>
            %add3A_840 = arith.addi %mul3A_781, %add3A_839 : vector<16xi32>
            %mul3A_841 = arith.mulf %get3A_833, %div3A_730 : vector<16xf32>
            tpu.vector_store_idx %arg7[%add3A_840], %mul3A_841 : memref<20000xf32, #tpu.memory_space<vmem>>[vector<16xi32>], vector<16xf32>,
            %add3A_842 = arith.constant 50000 : i32
            %add3A_843 = arith.addi %add3A_842, %add3A_722 : i32
            %get3A_844 = arith.index_cast %add3A_843 : i32 to index
            %get3A_845 = tpu.vector_load %arg6[%get3A_844] {strides = array<i32>} : memref<70000xf32, #tpu.memory_space<vmem>>, vector<16xf32>,
            %add3A_846 = arith.constant 50000 : i32
            %add3A_847 = arith.addi %add3A_846, %add3A_722 : i32
            %swap3A_848 = arith.index_cast %add3A_847 : i32 to index
            %swap3A_849 = tpu.vector_load %arg6[%swap3A_848] {strides = array<i32>} : memref<70000xf32, #tpu.memory_space<vmem>>, vector<16xf32>,
            tpu.vector_store %arg6[%swap3A_848], %broadcast_in_dim3A_724 {strides = array<i32>} : memref<70000xf32, #tpu.memory_space<vmem>>, vector<16xf32>,
            %add3A_850 = arith.constant 5 : i32
            %add3A_851 = vector.broadcast %add3A_850 : i32 to vector<16xi32>
            %add3A_852 = arith.addi %mul3A_781, %add3A_851 : vector<16xi32>
            %mul3A_853 = arith.mulf %get3A_845, %div3A_730 : vector<16xf32>
            tpu.vector_store_idx %arg7[%add3A_852], %mul3A_853 : memref<20000xf32, #tpu.memory_space<vmem>>[vector<16xi32>], vector<16xf32>,
            %add3A_854 = arith.constant 60000 : i32
            %add3A_855 = arith.addi %add3A_854, %add3A_722 : i32
            %swap3A_856 = arith.index_cast %add3A_855 : i32 to index
            %swap3A_857 = tpu.vector_load %arg6[%swap3A_856] {strides = array<i32>} : memref<70000xf32, #tpu.memory_space<vmem>>, vector<16xf32>,
            tpu.vector_store %arg6[%swap3A_856], %broadcast_in_dim3A_724 {strides = array<i32>} : memref<70000xf32, #tpu.memory_space<vmem>>, vector<16xf32>,
            %add3A_858 = arith.constant 6 : i32
            %add3A_859 = vector.broadcast %add3A_858 : i32 to vector<16xi32>
            %add3A_860 = arith.addi %mul3A_781, %add3A_859 : vector<16xi32>
            %broadcast_in_dim3A_861 = vector.broadcast %mul3A_68 : f32 to vector<16xf32>
            tpu.vector_store_idx %arg7[%add3A_860], %broadcast_in_dim3A_861 : memref<20000xf32, #tpu.memory_space<vmem>>[vector<16xi32>], vector<16xf32>,
            %add3A_862 = arith.constant 7 : i32
            %add3A_863 = vector.broadcast %add3A_862 : i32 to vector<16xi32>
            %add3A_864 = arith.addi %mul3A_781, %add3A_863 : vector<16xi32>
            tpu.vector_store_idx %arg7[%add3A_864], %mul3A_772 : memref<20000xf32, #tpu.memory_space<vmem>>[vector<16xi32>], vector<16xf32>,
            %add3A_865 = arith.constant 8 : i32
            %add3A_866 = vector.broadcast %add3A_865 : i32 to vector<16xi32>
            %add3A_867 = arith.addi %mul3A_781, %add3A_866 : vector<16xi32>
            tpu.vector_store_idx %arg7[%add3A_867], %mul3A_776 : memref<20000xf32, #tpu.memory_space<vmem>>[vector<16xi32>], vector<16xf32>,
            %add3A_868 = arith.constant 9 : i32
            %add3A_869 = vector.broadcast %add3A_868 : i32 to vector<16xi32>
            %add3A_870 = arith.addi %mul3A_781, %add3A_869 : vector<16xi32>
            tpu.vector_store_idx %arg7[%add3A_870], %min3A_731 : memref<20000xf32, #tpu.memory_space<vmem>>[vector<16xi32>], vector<16xf32>,
          }
          %scan3A_85 = arith.constant 125 : i32
          %mul3A_86 = arith.constant 100000 : i32
          %mul3A_87 = arith.muli %add3A_18, %mul3A_86 : i32
          %mul3A_88 = arith.constant 20000 : i32
          %mul3A_89 = arith.muli %add3A_78, %mul3A_88 : i32
          %add3A_90 = arith.addi %mul3A_87, %mul3A_89 : i32
          "tpu.region"() ({
            %run_scoped3A = tpu.sem_alloc : memref<!tpu.dma_semaphore, #tpu.memory_space<semaphore_mem>>
            %dma_start3A_91 = tpu.memref_slice %arg3[%add3A_90] : memref<40000000xf32, #tpu.memory_space<hbm>> -> memref<20000xf32, #tpu.memory_space<hbm>>
            %dma_start3A_92 = tpu.memref_slice %arg3[%add3A_90] : memref<40000000xf32, #tpu.memory_space<hbm>> -> memref<20000xf32, #tpu.memory_space<hbm>>
            tpu.enqueue_dma source(%arg7 : memref<20000xf32, #tpu.memory_space<vmem>>) target(%dma_start3A_92 : memref<20000xf32, #tpu.memory_space<hbm>>) target_semaphore(%run_scoped3A : memref<!tpu.dma_semaphore, #tpu.memory_space<semaphore_mem>>)
            %dma_wait3A = tpu.memref_slice %arg3[%add3A_90] : memref<40000000xf32, #tpu.memory_space<hbm>> -> memref<20000xf32, #tpu.memory_space<hbm>>
            %dma_wait3A_93 = tpu.memref_slice %arg3[%add3A_90] : memref<40000000xf32, #tpu.memory_space<hbm>> -> memref<20000xf32, #tpu.memory_space<hbm>>
            tpu.wait_dma2 semaphore(%run_scoped3A : memref<!tpu.dma_semaphore, #tpu.memory_space<semaphore_mem>>) src(%arg7 : memref<20000xf32, #tpu.memory_space<vmem>>) dst(%dma_wait3A_93 : memref<20000xf32, #tpu.memory_space<hbm>>)
            tpu.yield
          }) : () -> ()
        }
        %scan3A_73 = arith.constant 5 : i32
      } else {
      }
    }
    %scan3A_10 = arith.constant 13 : i32
    return
  }
}

</mosaic_0001>

<sc_bundles>
// kernel: _voxelize.3.cloned.1.call-start
scs
__scs_entry_jumppad:
0x0: {  	(pc) =	sbr.rel $0x88, $3  }
0x1: {  	(tag) =	ssettag $0x0;
	lr =	simm.s32 $0x1  }
0x2: {  	[smem:$0x3FA0] =	sst lr;
	_ =	strace $0xD0000000  }
0x3: {  	_ = 	snop  }
0x4: {  	_ = 	snop  }
0x5: {  	_ = 	snop  }
0x6: {  	_ = 	snop  }
0x7: {  	_ = 	snop  }
__scs_overlays_trampoline_lowered:
0x8: {  	[smem:$0x3FAF] =	sst s0  }
0x9: {  	[smem:$0x3FB0] =	sst s1  }
0xa: {  	[smem:$0x3FB1] =	sst s2  }
0xb: {  	[smem:$0x3FB2] =	sst s3  }
0xc: {  	[smem:$0x3FB3] =	sst s4  }
0xd: {  	[smem:$0x3FB4] =	sst s5  }
0xe: {  	[smem:$0x3FB5] =	sst s6  }
0xf: {  	[smem:$0x3FB6] =	sst s7  }
0x10: {  	[smem:$0x3FB7] =	sst s8  }
0x11: {  	[smem:$0x3FB8] =	sst s9;
	s0 =	simm.s32 @!p0 $0x0  }
0x12: {  	s1 =	sld [smem:$0x3F9E];
	s0 =	simm.s32 @p0 $0x1  }
0x13: {  	[smem:$0x3FB9] =	sst s0;
	s0 =	simm.s32 @!p1 $0x0  }
0x14: {  	s2 =	sld [smem:$0x3F9D];
	s0 =	simm.s32 @p1 $0x1  }
0x15: {  	[smem:$0x3FBA] =	sst s0;
	s0 =	simm.s32 @!p2 $0x0  }
0x16: {  	s3 =	sld [smem:$0x3FDB];
	s0 =	simm.s32 @p2 $0x1  }
0x17: {  	s4 =	simm.s32 $0x1BF5;
	[smem:$0x3FBC] =	sst s0  }
0x18: {  	s0 =	sld [smem:$0x3F9F];
	_ =	swait.ge [sflag:s4], $0x0  }
0x19: {  	s7 =	sld [smem:$0x3FA0]  }
0x1a: {  	s8 =	sadd.s32 $0xFFFFE003, lr  }
0x1b: {  	s9 =	sadd.s32 $0xFFFFFEF7, lr;
	s5 =	simm.s32 $0xFFFFFFFF;
	p2 =	slt.u32 s8, $0xFFFFF086  }
0x1c: {  	p1 =	slt.u32 s9, $0xF7A;
	s5 =	simm.s32 @!p2 $0x0  }
0x1d: {  	s5 =	simm.s32 @p1 $0x1;
	p0 =	seq.s32 s7, s2  }
0x1e: {  	s7 =	smul.u32 @!p0 $0xF7A, s2;
	p2 =	seq.s32 @!p0 s5, $0x0  }
0x1f: {  	s9 =	smul.u32 $0xF7A, s1;
	s8 =	simm.s32 @!p0 $0x1BF5;
	p2 =	por !p2, p0  }
0x20: {  	[sflag:s8] =	ssyncset.s32 @!p0 $0xFFFFF086;
	s6 =	sadd.s32 @!p0 s3, s7;
	s7 =	simm.s32 @!p0 $0x108  }
0x21: {  	s3 =	sadd.s32 s3, s9;
	s6 =	sadd.s32 @!p0 $0x88, s6;
	s7 =	simm.s32 @p2 $0x1082  }
0x22: {  	[simem:s7], [sflag:s8] =	dma.local @!p0 [hbm:s6], $0xF7A  }
0x23: {  	s9 =	sor.u32 $0xD0000000, s2;
	s6 =	simm.s32 $0x108;
	_ =	swait.ge @!p0 [sflag:s8], $0x0  }
0x24: {  	s3 =	sadd.s32 $0x88, s3;
	s6 =	simm.s32 @!p1 $0x1082;
	[sflag:s4] =	ssyncset.s32 $0xFFFFF086  }
0x25: {  	[simem:s6], [sflag:s4] =	dma.local [hbm:s3], $0xF7A  }
0x26: {  	[smem:$0x3FA0] =	sst s1;
	(tag) =	ssettag s2;
	_ =	strace s9  }
0x27: {  	s1 =	sld [smem:$0x3FB0]  }
0x28: {  	s2 =	sld [smem:$0x3FB1]  }
0x29: {  	s4 =	sld [smem:$0x3FB3]  }
0x2a: {  	p0 =	seq.s32 s5, $0x0;
	s5 =	sld [smem:$0x3FB4]  }
0x2b: {  	s6 =	sld [smem:$0x3FB5]  }
0x2c: {  	s7 =	sld [smem:$0x3FB6]  }
0x2d: {  	s3 =	simm.s32 $0x108;
	s8 =	sld [smem:$0x3FB7]  }
0x2e: {  	s3 =	simm.s32 @!p0 $0x1082;
	s9 =	sld [smem:$0x3FB8]  }
0x2f: {  	lr =	sadd.s32 s0, s3;
	s0 =	sld [smem:$0x3FAF]  }
0x30: {  	s3 =	sld [smem:$0x3FB2]  }
0x31: {  	[smem:$0x3FBB] =	sst s10  }
0x32: {  	s10 =	sld [smem:$0x3FB9];
	_ =	sdelay $0x3  }
0x33: {  	p0 =	seq.s32 s10, $0x1;
	s10 =	sld [smem:$0x3FBB];
	_ =	sdelay $0x3  }
0x34: {  	[smem:$0x3FBB] =	sst s10  }
0x35: {  	s10 =	sld [smem:$0x3FBA];
	_ =	sdelay $0x3  }
0x36: {  	p1 =	seq.s32 s10, $0x1;
	s10 =	sld [smem:$0x3FBB];
	_ =	sdelay $0x3  }
0x37: {  	[smem:$0x3FBB] =	sst s10  }
0x38: {  	s10 =	sld [smem:$0x3FBC]  }
0x39: {  	_ = 	snop;
	(pc) =	sbr.ind lr, $3  }
0x3a: {  	_ = 	snop  }
0x3b: {  	_ = 	snop  }
0x3c: {  	p2 =	seq.s32 s10, $0x1;
	s10 =	sld [smem:$0x3FBB]  }
0x3d: {  	_ =	shalt  }
0x3e: {  	_ =	shalt  }
0x3f: {  	_ =	shalt  }
0x40: {  	_ =	shalt  }
0x41: {  	_ =	shalt  }
0x42: {  	_ =	shalt  }
0x43: {  	_ =	shalt  }
0x44: {  	_ =	shalt  }
0x45: {  	_ =	shalt  }
0x46: {  	_ =	shalt  }
0x47: {  	_ =	shalt  }
0x48: {  	_ =	shalt  }
0x49: {  	_ =	shalt  }
0x4a: {  	_ =	shalt  }
0x4b: {  	_ =	shalt  }
0x4c: {  	_ =	shalt  }
0x4d: {  	_ =	shalt  }
0x4e: {  	_ =	shalt  }
0x4f: {  	_ =	shalt  }
0x50: {  	_ =	shalt  }
0x51: {  	_ =	shalt  }
0x52: {  	_ =	shalt  }
0x53: {  	_ =	shalt  }
0x54: {  	_ =	shalt  }
0x55: {  	_ =	shalt  }
0x56: {  	_ =	shalt  }
0x57: {  	_ =	shalt  }
0x58: {  	_ =	shalt  }
0x59: {  	_ =	shalt  }
0x5a: {  	_ =	shalt  }
0x5b: {  	_ =	shalt  }
0x5c: {  	_ =	shalt  }
0x5d: {  	_ =	shalt  }
0x5e: {  	_ =	shalt  }
0x5f: {  	_ =	shalt  }
0x60: {  	_ =	shalt  }
0x61: {  	_ =	shalt  }
0x62: {  	_ =	shalt  }
0x63: {  	_ =	shalt  }
0x64: {  	_ =	shalt  }
0x65: {  	_ =	shalt  }
0x66: {  	_ =	shalt  }
0x67: {  	_ =	shalt  }
0x68: {  	_ =	shalt  }
0x69: {  	_ =	shalt  }
0x6a: {  	_ =	shalt  }
0x6b: {  	_ =	shalt  }
0x6c: {  	_ =	shalt  }
0x6d: {  	_ =	shalt  }
0x6e: {  	_ =	shalt  }
0x6f: {  	_ =	shalt  }
0x70: {  	_ =	shalt  }
0x71: {  	_ =	shalt  }
0x72: {  	_ =	shalt  }
0x73: {  	_ =	shalt  }
0x74: {  	_ =	shalt  }
0x75: {  	_ =	shalt  }
0x76: {  	_ =	shalt  }
0x77: {  	_ =	shalt  }
0x78: {  	_ =	shalt  }
0x79: {  	_ =	shalt  }
0x7a: {  	_ =	shalt  }
0x7b: {  	_ =	shalt  }
0x7c: {  	_ =	shalt  }
0x7d: {  	_ =	shalt  }
0x7e: {  	_ =	shalt  }
0x7f: {  	_ =	shalt  }
0x80: {  	_ =	shalt  }
0x81: {  	_ =	shalt  }
0x82: {  	_ =	shalt  }
0x83: {  	_ =	shalt  }
0x84: {  	_ =	shalt  }
0x85: {  	_ =	shalt  }
0x86: {  	_ =	shalt  }
0x87: {  	_ =	shalt  }
.Lfunc_end0:
.L_simem_size_0:
called_computation_lowered:
.L_overlay_start_0:
0x88: {  	s2 =	sld [smem:$0x3FD9]  }
0x89: {  	s3 =	sld [smem:$0x3FFE];
	_ =	sdelay $0x1  }
0x8a: {  	s1 =	srdreg.scid  }
0x8b: {  	s0 =	sand.u32 $0x1, s1  }
0x8c: {  	s18 =	sshll.u32 s0, $0xA;
	s2 =	sadd.s32 s3, s2  }
0x8d: {  	s2 =	sadd.s32 s2, s18  }
0x8e: {  	[smem:$0x3FC7] =	sst s2  }
0x8f: {  	_ = 	snop  }
0x90: {  	s2 =	sld [smem:$0x3FC9]  }
0x91: {  	s19 =	sld [smem:$0x3FD0];
	(tm) =	ssettm $0x1  }
0x92: {  	s4 =	sld [smem:$0x3FFB];
	_ =	sdelay $0x3  }
0x93: {  	_ =	strace s4  }
0x94: {  	s4 =	sld [smem:$0x3FFC];
	_ =	sdelay $0x3  }
0x95: {  	_ =	strace s4  }
0x96: {  	s4 =	sld [smem:$0x3FFD];
	_ =	sdelay $0x3  }
0x97: {  	_ =	strace s4  }
0x98: {  	_ =	strace $0x8FFFFFFF  }
0x99: {  	s20 =	sld [smem:$0x3FDB];
	_ =	sdelay $0x1  }
0x9a: {  	s5 =	simm.s32 $_scs_section_size  }
0x9b: {  	s6 =	simm.s32 $_size__tile_overlayer_lowered;
	s7 =	simm.s32 $_tile_overlayer_lowered  }
0x9c: {  	s23 =	simm.s32 $0x1BFF;
	s22 =	sshll.u32 s7, $0x1;
	s4 =	sadd.s32 s5, s20  }
0x9d: {  	s8 =	simm.s32 $0x0;
	s21 =	sshll.u32 s6, $0x1;
	s6 =	sadd.s32 s22, s4  }
0x9e: {  	[timem:s8], [sflag:s23] =	dma.local [hbm:s6], s21  }
0x9f: {  	_ =	swait.ge [sflag:s23], s21  }
0xa0: {  	s5 =	ssub.s32 $0x0, s21;
	[sflag:s23] =	ssyncset.done $0x0  }
0xa1: {  	[sflag:s23] =	ssyncadd.s32 s5;
	_ =	sdelay $0x1  }
0xa2: {  	s24 =	simm.s32 $0x1B8B  }
0xa3: {  	_ =	swait.ge [sflag:s24], $0x1  }
0xa4: {  	[sflag:s24] =	ssyncset.done $0x0  }
0xa5: {  	s25 =	simm.s32 $0x1B8E;
	[sflag:s24] =	ssyncadd.s32 $0xFFFFFFFF  }
0xa6: {  	s26 =	simm.s32 $execute0_lowered;
	[smem:$0x3FD2] =	sst s25  }
0xa7: {  	s5 =	sshll.u32 s26, $0x1;
	_ =	strace $0x80000046;
	[dreg:$0x1] =	wrdreg $0xFFFFFFFF  }
0xa8: {  	s28 =	simm.s32 $_size_execute0_lowered;
	s4 =	sadd.s32 s4, s5;
	[dreg:$0x0] =	wrdreg $0x0  }
0xa9: {  	s5 =	sshll.u32 s28, $0x1;
	[dreg:$0x2] =	wrdreg s4  }
0xaa: {  	[dreg:$0x3] =	wrdreg s5  }
0xab: {  	[dreg:$0x4] =	wrdreg $0xC0  }
0xac: {  	_ =	task [dreg:s8], $0x5FFFF  }
0xad: {  	[dreg:$0x1] =	wrdreg $0xFFFFFFFF  }
0xae: {  	[dreg:$0x0] =	wrdreg $0x60  }
0xaf: {  	[dreg:$0x2] =	wrdreg s2  }
0xb0: {  	[dreg:$0x3] =	wrdreg s19  }
0xb1: {  	[dreg:$0x4] =	wrdreg $0x9  }
0xb2: {  	_ =	task.clear_ibuf [dreg:s8], $0x5FFFF;
	_ =	strace $0x90000046  }
0xb3: {  	s29 =	simm.s32 $0x9;
	_ =	strace $0x80000048  }
0xb4: {  	_ =	swait.ge [sflag:s29], $0x1  }
0xb5: {  	[sflag:s29] =	ssyncadd.s32 $0xFFFFFFFF  }
0xb6: {  	_ =	strace $0x90000048  }
0xb7: {  	_ =	sfence  }
0xb8: {  	s30 =	sld [smem:$0x0];
	_ =	sdelay $0x2  }
0xb9: {  	s31 =	sshll.u32 s1, $0xD;
	s1 =	sshrl.u32 s1, $0x2  }
0xba: {  	s3 =	sand.u32 $0x4000, s31;
	s1 =	sadd.s32 s1, s30  }
0xbb: {  	s0 =	sor.u32 s3, s0;
	s1 =	sshll.u32 s1, $0x11  }
0xbc: {  	s0 =	sor.u32 s1, s0  }
0xbd: {  	s0 =	sadd.s32 $0x8F2B, s0  }
0xbe: {  	[sflag:s0] =	ssyncadd.remote.s32 $0x1  }
0xbf: {  	_ =	sfence.sel $0xFFFF  }
0xc0: {  	[dreg:$0x0] =	wrdreg $0xFFFFFFFF;
	(pc) =	sbr.abs _section_cstart, $3  }
0xc1: {  	[dreg:$0x1] =	wrdreg $0xFFFFFFFF  }
0xc2: {  	_ =	task.clear_ibuf [dreg:s8], $0x2FFFF;
	_ =	strace $0x9FFFFFFF  }
0xc3: {  	(tm) =	ssettm $0x7FFFFFFF  }
tec
execute0_lowered:
.L_overlay_start_1:
0x0: {  	(tag) =	ssettag $0x1  }
0x1: {  	s1 =	rddreg [dreg:$0x0]  }
0x2: {  	s2 =	rddreg [dreg:$0x1];
	s3 =	simm.s32 $0x0  }
0x3: {  	[smem:$0x7FF] =	sst s3  }
0x4: {  	s0 =	rddreg [dreg:$0x2];
	v0 =	vimm.f32 $1.999999960e-02;
	_ =	strace $0x80000047  }
0x5: {  	(erf) = vrcp.f32 v0;
	_ =	sdelay $0x3  }
0x6: {  	s4 =	srdreg.scid  }
.Ltmp0:
0x7: {  	s5 =	sand.u32 $0x1, s4;
	(pc) =	sbr.rel .LBB2_1-.Ltmp0, $4  }
0x8: {  	s8 =	simm.s32 $0x1;
	s9 =	simm.s32 $0x3000;
	s6 =	ssub.s32 $0x2, s5  }
0x9: {  	s10 =	simm.s32 $0x2;
	s11 =	simm.s32 $0x17180;
	s7 =	sshrl.u32 s6, $0x1  }
0xa: {  	s12 =	simm.s32 $0x3;
	s4 =	stileid.u32;
	v0 =	vlaneseq.u32;
	s7 =	ssub.s32 s6, s7  }
0xb: {  	v2 =	vimm.f32 $0.0e+00;
	v4 =	vimm.s32 $0x0;
	s13 =	simm.s32 $0x0;
	s6 =	sshll.u32 s4, $0x1;
	v3 =	vmul.u32 $0xFFFFFFFF, v0;
	s7 =	smax.u32 s7, $0x1;
	v1 =	vpop (erf)  }
.LBB2_16:
0xc: {  	s13 =	sadd.s32 $0x1, s13  }
0xd: {  	p0 =	sne.s32 s13, s7  }
.Ltmp1:
0xe: {  	_ = 	snop;
	(pc) =	sbr.rel @!p0 .LBB2_17-.Ltmp1, $1  }
0xf: {  	_ =	sdelay $0x3  }
.LBB2_1:
0x10: {  	s14 =	simm.s32 $0x0  }
.LBB2_2:
0x11: {  	p0 =	sne.s32 s14, $0x44580  }
.Ltmp2:
0x12: {  	_ = 	snop;
	(pc) =	sbr.rel @p0 .LBB2_2-.Ltmp2, $3  }
0x13: {  	_ =	sdelay $0x1  }
0x14: {  	s15 =	sshra.s32 s14, $0x2  }
0x15: {  	s14 =	sadd.s32 $0x40, s14;
	[tilespmem:s15+$0x6000] =	vst v2  }
.Ltmp3:
0x16: {  	(pc) =	sbr.rel .LBB2_4-.Ltmp3, $2  }
0x17: {  	_ =	sdelay $0x2  }
0x18: {  	s14 =	simm.s32 $0x0  }
.LBB2_15:
0x19: {  	s14 =	sadd.s32 $0x1, s14  }
0x1a: {  	p0 =	sne.s32 s14, $0xD  }
.Ltmp4:
0x1b: {  	_ = 	snop;
	(pc) =	sbr.rel @!p0 .LBB2_16-.Ltmp4, $1  }
0x1c: {  	_ =	sdelay $0x3  }
.LBB2_4:
0x1d: {  	s15 =	sshll.u32 s14, $0x5  }
0x1e: {  	s16 =	sor.u32 s6, s15  }
0x1f: {  	p0 =	sgt.u32 s16, $0x18F  }
.Ltmp5:
0x20: {  	_ = 	snop;
	(pc) =	sbr.rel @p0 .LBB2_15-.Ltmp5, $1  }
0x21: {  	_ =	sdelay $0x3  }
0x22: {  	s15 =	sor.u32 s5, s16;
	s28 =	sand.u32 $0xFFFC, s16  }
0x23: {  	s16 =	sshrl.u32 s28, $0x2;
	s17 =	smulhi.u32 $0x51EB851F, s15  }
0x24: {  	s16 =	smul.u32 $0x147B, s16  }
0x25: {  	s17 =	sshrl.u32 s17, $0x5  }
0x26: {  	s18 =	sshrl.u32 s16, $0x11;
	s29 =	smul.u32 $0x64, s17  }
0x27: {  	s30 =	smul.u32 $0xC000, s18  }
0x28: {  	s17 =	simm.s32 $0x0;
	s16 =	ssub.s32 s15, s29  }
0x29: {  	s18 =	sshll.u32 s18, $0x5;
	s19 =	sadd.s32 s1, s30;
	s31 =	sadd.s32 $0x1, s16  }
0x2a: {  	[tilespmem:s17], [sflag:$0x1] =	stream.linear.gather [hbm4b:s19+s17], $0x3000, $0x38;
	[tilespmem:$0x1C000] =	vst v63  }
0x2b: {  	s20 =	simm.s32 $0x0;
	v5 =	vmov s31;
	s19 =	sor.u32 $0x2, s18  }
.LBB2_6:
0x2c: {  	s21 =	sshll.u32 s20, $0x1  }
0x2d: {  	s22 =	sadd.s32 s21, s18  }
0x2e: {  	s22 =	smul.u32 $0x600, s22  }
0x2f: {  	_ =	swait.ge [sflag:s8], $0x3000  }
0x30: {  	[sflag:s8] =	ssyncset.done $0x0;
	s22 =	sadd.s32 s1, s22  }
0x31: {  	[sflag:s8] =	ssyncadd.s32 $0xFFFFD000;
	s22 =	sadd.s32 $0x600, s22  }
0x32: {  	[tilespmem:s9], [sflag:$0x2] =	stream.linear.gather [hbm4b:s22+s17], $0x3000, $0x38;
	[tilespmem:$0x1C000] =	vst v63  }
0x33: {  	v6 =	vld [tilespmem:s17+$0x0];
	_ =	sdelay $0x4  }
0x34: {  	v7 =	vadd.f32 $1.019999980e+00, v6;
	_ =	sdelay $0x1  }
0x35: {  	v7 =	vmul.f32 v7, v1;
	_ =	sdelay $0x1  }
0x36: {  	v7 =	vtrunc.f32 v7  }
0x37: {  	v7 =	vcvt.f32.s32 v7;
	_ =	sdelay $0x1  }
0x38: {  	vm0 =	veq.s32 v5, v7  }
0x39: {  	v8 =	vsel vm0, $0x3F800000, v2  }
0x3a: {  	(xrf0) =	vmax.scan.msk.f32 $0xffff, v8;
	_ =	sdelay $0x5  }
0x3b: {  	v8, _, _ =	vpop (xrf0)  }
0x3c: {  	(v2sf) =	vpush v8, $0xF;
	_ =	sdelay $0xe  }
0x3d: {  	s31 =	spop (v2sf)  }
0x3e: {  	p0 =	sgt.f32 s31, $0.0e+00;
	_ =	sdelay $0x1  }
0x3f: {  	s22 =	sand.u32 @p0 $0x7F0, s17  }
0x40: {  	v8 =	vld @p0 [tilespmem:s22+$0x800];
	_ =	sdelay $0x1  }
0x41: {  	v9 =	vld @p0 [tilespmem:s22+$0x1000];
	_ =	sdelay $0x2  }
0x42: {  	v10 =	vadd.f32 @p0 $1.019999980e+00, v8;
	_ =	sdelay $0x1  }
0x43: {  	v11 =	vadd.f32 @p0 $1.019999980e+00, v9;
	v10 =	vmul.f32 @p0 v10, v1;
	_ =	sdelay $0x1  }
0x44: {  	v11 =	vmul.f32 @p0 v11, v1;
	v10 =	vtrunc.f32 @p0 v10  }
0x45: {  	v10 =	vcvt.f32.s32 @p0 v10  }
0x46: {  	v11 =	vtrunc.f32 @p0 v11  }
0x47: {  	v11 =	vcvt.f32.s32 @p0 v11;
	v12 =	vmul.u32 @p0 $0x64, v10;
	_ =	sdelay $0x1  }
0x48: {  	v10 =	vadd.s32 @p0 $0xFFFFFFFF, v10;
	v13 =	vadd.s32 @p0 $0xFFFFFFFF, v11;
	v11 =	vadd.s32 @p0 v12, v11  }
0x49: {  	vm0 =	vlt.u32 @p0 v10, $0x64;
	vm1 =	vlt.u32 @p0 v13, $0x64;
	v10 =	vadd.s32 @p0 $0xFFFFFF9B, v11  }
0x4a: {  	vm2 =	veq.s32 @p0 v5, v7;
	vm0 =	vmand @p0 vm0, vm1;
	vm1 =	vgt.s32 @p0 v10, $0x0  }
0x4b: {  	vm0 =	vmand @p0 vm2, vm0;
	v7 =	vnsel @p0 vm1, $0x0, v10  }
0x4c: {  	v7 =	vmin.u32 @p0 v7, $0x270F  }
0x4d: {  	v10 =	vadd.s32 @p0 $0x2710, v7  }
0x4e: {  	v14 =	vld @p0 [tilespmem:s22+$0x1800];
	v11 =	vadd.s32 @p0 $0x4E20, v7  }
0x4f: {  	v16 =	vld @p0 [tilespmem:s22+$0x2000];
	v13 =	vadd.s32 @p0 $0x7530, v7  }
0x50: {  	s24 =	simm.s32 @p0 $0x6000;
	v12 =	vld @p0 [tilespmem:s22+$0x2800];
	v15 =	vadd.s32 @p0 $0x9C40, v7  }
0x51: {  	v17 =	vadd.s32 @p0 $0xC350, v7;
	[tilespmem:v7+s24+$0x0] =	vst.idx.add.f32.msk @p0 vm0, v6  }
0x52: {  	v6 =	vadd.s32 @p0 $0xEA60, v7;
	[tilespmem:v10+s24+$0x0] =	vst.idx.add.f32.msk @p0 vm0, v8  }
0x53: {  	[tilespmem:v11+s24+$0x0] =	vst.idx.add.f32.msk @p0 vm0, v9  }
0x54: {  	[tilespmem:v13+s24+$0x0] =	vst.idx.add.f32.msk @p0 vm0, v14  }
0x55: {  	[tilespmem:v15+s24+$0x0] =	vst.idx.add.f32.msk @p0 vm0, v16  }
0x56: {  	s23 =	simm.s32 $0x0;
	s22 =	simm.s32 $0x10;
	v7 =	vimm.f32 @p0 $1.000000000e+00;
	[tilespmem:v17+s24+$0x0] =	vst.idx.add.f32.msk @p0 vm0, v12  }
.LBB2_7:
0x57: {  	[tilespmem:v6+s24+$0x0] =	vst.idx.add.f32.msk @p0 vm0, v7;
	s23 =	sadd.s32 $0x10, s23;
	s24 =	smov.u32 s22;
	s22 =	sadd.s32 $0x10, s22  }
0x58: {  	v7 =	vld [tilespmem:s23+$0x0];
	p1 =	sne.s32 s22, $0x800;
	_ =	sdelay $0x4  }
0x59: {  	v6 =	vadd.f32 $1.019999980e+00, v7;
	_ =	sdelay $0x1  }
0x5a: {  	v6 =	vmul.f32 v6, v1;
	_ =	sdelay $0x1  }
0x5b: {  	v6 =	vtrunc.f32 v6  }
0x5c: {  	v6 =	vcvt.f32.s32 v6;
	_ =	sdelay $0x1  }
0x5d: {  	vm0 =	veq.s32 v5, v6  }
0x5e: {  	v8 =	vsel vm0, $0x3F800000, v2  }
0x5f: {  	(xrf0) =	vmax.scan.msk.f32 $0xffff, v8;
	_ =	sdelay $0x5  }
0x60: {  	v8, _, _ =	vpop (xrf0)  }
0x61: {  	(v2sf) =	vpush v8, $0xF;
	_ =	sdelay $0xe  }
0x62: {  	s25 =	spop (v2sf)  }
0x63: {  	p0 =	sgt.f32 s25, $0.0e+00;
	_ =	sdelay $0x1  }
0x64: {  	vm0 =	veq.s32 @p0 v5, v6;
	s24 =	sand.u32 @p0 $0x7F0, s24  }
0x65: {  	v8 =	vld @p0 [tilespmem:s24+$0x800];
	_ =	sdelay $0x1  }
0x66: {  	v9 =	vld @p0 [tilespmem:s24+$0x1000];
	_ =	sdelay $0x2  }
0x67: {  	v6 =	vadd.f32 @p0 $1.019999980e+00, v8;
	_ =	sdelay $0x1  }
0x68: {  	v6 =	vmul.f32 @p0 v6, v1;
	v10 =	vadd.f32 @p0 $1.019999980e+00, v9;
	_ =	sdelay $0x1  }
0x69: {  	v6 =	vtrunc.f32 @p0 v6;
	v10 =	vmul.f32 @p0 v10, v1  }
0x6a: {  	v6 =	vcvt.f32.s32 @p0 v6  }
0x6b: {  	v10 =	vtrunc.f32 @p0 v10  }
0x6c: {  	v10 =	vcvt.f32.s32 @p0 v10;
	v11 =	vadd.s32 @p0 $0xFFFFFFFF, v6;
	v6 =	vmul.u32 @p0 $0x64, v6  }
0x6d: {  	vm1 =	vlt.u32 @p0 v11, $0x64  }
0x6e: {  	v11 =	vadd.s32 @p0 $0xFFFFFFFF, v10;
	v6 =	vadd.s32 @p0 v6, v10  }
0x6f: {  	vm2 =	vlt.u32 @p0 v11, $0x64;
	v6 =	vadd.s32 @p0 $0xFFFFFF9B, v6  }
0x70: {  	vm1 =	vmand @p0 vm1, vm2;
	vm2 =	vgt.s32 @p0 v6, $0x0  }
0x71: {  	vm0 =	vmand @p0 vm0, vm1;
	v6 =	vnsel @p0 vm2, $0x0, v6  }
0x72: {  	v10 =	vmin.u32 @p0 v6, $0x270F  }
0x73: {  	v11 =	vadd.s32 @p0 $0x2710, v10;
	v12 =	vadd.s32 @p0 $0x4E20, v10;
	v13 =	vadd.s32 @p0 $0x7530, v10  }
0x74: {  	v15 =	vadd.s32 @p0 $0x9C40, v10;
	v16 =	vadd.s32 @p0 $0xC350, v10;
	v6 =	vadd.s32 @p0 $0xEA60, v10;
	v14 =	vld @p0 [tilespmem:s24+$0x2800]  }
0x75: {  	v17 =	vld @p0 [tilespmem:s24+$0x1800]  }
0x76: {  	v18 =	vld @p0 [tilespmem:s24+$0x2000];
	s24 =	simm.s32 @p0 $0x6000  }
0x77: {  	[tilespmem:v10+s24+$0x0] =	vst.idx.add.f32.msk @p0 vm0, v7  }
.Ltmp6:
0x78: {  	[tilespmem:v11+s24+$0x0] =	vst.idx.add.f32.msk @p0 vm0, v8;
	(pc) =	sbr.rel @p1 .LBB2_7-.Ltmp6, $4  }
0x79: {  	[tilespmem:v12+s24+$0x0] =	vst.idx.add.f32.msk @p0 vm0, v9  }
0x7a: {  	[tilespmem:v13+s24+$0x0] =	vst.idx.add.f32.msk @p0 vm0, v17  }
0x7b: {  	[tilespmem:v15+s24+$0x0] =	vst.idx.add.f32.msk @p0 vm0, v18  }
0x7c: {  	v7 =	vimm.f32 @p0 $1.000000000e+00;
	[tilespmem:v16+s24+$0x0] =	vst.idx.add.f32.msk @p0 vm0, v14  }
0x7d: {  	_ =	sdelay $0x3  }
0x7e: {  	p1 =	seq.s32 s20, $0xF  }
0x7f: {  	[tilespmem:v6+s24+$0x0] =	vst.idx.add.f32.msk @p0 vm0, v7;
	s21 =	sadd.s32 @!p1 s21, s19  }
0x80: {  	_ =	swait.ge [sflag:s10], $0x3000;
	s21 =	smul.u32 @!p1 $0x600, s21  }
0x81: {  	[sflag:s10] =	ssyncset.done $0x0  }
0x82: {  	s22 =	simm.s32 @!p1 $0x0;
	[sflag:s10] =	ssyncadd.s32 $0xFFFFD000;
	s21 =	sadd.s32 @!p1 s1, s21  }
0x83: {  	[tilespmem:s22], [sflag:$0x1] =	stream.linear.gather @!p1 [hbm4b:s21+s22], $0x3000, $0x38;
	[tilespmem:$0x1C000] =	vst v63  }
0x84: {  	s21 =	simm.s32 $0x3000  }
0x85: {  	v6 =	vld [tilespmem:s21+$0x0];
	_ =	sdelay $0x4  }
0x86: {  	v7 =	vadd.f32 $1.019999980e+00, v6;
	_ =	sdelay $0x1  }
0x87: {  	v7 =	vmul.f32 v7, v1;
	_ =	sdelay $0x1  }
0x88: {  	v7 =	vtrunc.f32 v7  }
0x89: {  	v7 =	vcvt.f32.s32 v7;
	_ =	sdelay $0x1  }
0x8a: {  	vm0 =	veq.s32 v5, v7  }
0x8b: {  	v8 =	vsel vm0, $0x3F800000, v2  }
0x8c: {  	(xrf0) =	vmax.scan.msk.f32 $0xffff, v8;
	_ =	sdelay $0x5  }
0x8d: {  	v8, _, _ =	vpop (xrf0)  }
0x8e: {  	(v2sf) =	vpush v8, $0xF;
	_ =	sdelay $0xe  }
0x8f: {  	s31 =	spop (v2sf)  }
0x90: {  	p0 =	sgt.f32 s31, $0.0e+00  }
0x91: {  	s22 =	simm.s32 $0x0  }
0x92: {  	s22 =	sand.u32 @p0 $0x7F0, s22  }
0x93: {  	v8 =	vld @p0 [tilespmem:s22+$0x3800];
	_ =	sdelay $0x1  }
0x94: {  	v9 =	vld @p0 [tilespmem:s22+$0x4000];
	_ =	sdelay $0x2  }
0x95: {  	v10 =	vadd.f32 @p0 $1.019999980e+00, v8;
	_ =	sdelay $0x1  }
0x96: {  	v11 =	vadd.f32 @p0 $1.019999980e+00, v9;
	v10 =	vmul.f32 @p0 v10, v1;
	_ =	sdelay $0x1  }
0x97: {  	v11 =	vmul.f32 @p0 v11, v1;
	v10 =	vtrunc.f32 @p0 v10  }
0x98: {  	v10 =	vcvt.f32.s32 @p0 v10  }
0x99: {  	v11 =	vtrunc.f32 @p0 v11  }
0x9a: {  	v11 =	vcvt.f32.s32 @p0 v11;
	v12 =	vmul.u32 @p0 $0x64, v10;
	_ =	sdelay $0x1  }
0x9b: {  	v10 =	vadd.s32 @p0 $0xFFFFFFFF, v10;
	v13 =	vadd.s32 @p0 $0xFFFFFFFF, v11;
	v11 =	vadd.s32 @p0 v12, v11  }
0x9c: {  	vm0 =	vlt.u32 @p0 v10, $0x64;
	vm1 =	vlt.u32 @p0 v13, $0x64;
	v10 =	vadd.s32 @p0 $0xFFFFFF9B, v11  }
0x9d: {  	vm2 =	veq.s32 @p0 v5, v7;
	vm0 =	vmand @p0 vm0, vm1;
	vm1 =	vgt.s32 @p0 v10, $0x0  }
0x9e: {  	vm0 =	vmand @p0 vm2, vm0;
	v7 =	vnsel @p0 vm1, $0x0, v10  }
0x9f: {  	v7 =	vmin.u32 @p0 v7, $0x270F  }
0xa0: {  	v10 =	vadd.s32 @p0 $0x2710, v7  }
0xa1: {  	v14 =	vld @p0 [tilespmem:s22+$0x4800];
	v11 =	vadd.s32 @p0 $0x4E20, v7  }
0xa2: {  	v16 =	vld @p0 [tilespmem:s22+$0x5000];
	v13 =	vadd.s32 @p0 $0x7530, v7  }
0xa3: {  	s23 =	simm.s32 @p0 $0x6000;
	v12 =	vld @p0 [tilespmem:s22+$0x5800];
	v15 =	vadd.s32 @p0 $0x9C40, v7  }
0xa4: {  	v17 =	vadd.s32 @p0 $0xC350, v7;
	[tilespmem:v7+s23+$0x0] =	vst.idx.add.f32.msk @p0 vm0, v6  }
0xa5: {  	v6 =	vadd.s32 @p0 $0xEA60, v7;
	[tilespmem:v10+s23+$0x0] =	vst.idx.add.f32.msk @p0 vm0, v8  }
0xa6: {  	[tilespmem:v11+s23+$0x0] =	vst.idx.add.f32.msk @p0 vm0, v9  }
0xa7: {  	[tilespmem:v13+s23+$0x0] =	vst.idx.add.f32.msk @p0 vm0, v14  }
0xa8: {  	[tilespmem:v15+s23+$0x0] =	vst.idx.add.f32.msk @p0 vm0, v16  }
0xa9: {  	s22 =	simm.s32 $0x10;
	v7 =	vimm.f32 @p0 $1.000000000e+00;
	[tilespmem:v17+s23+$0x0] =	vst.idx.add.f32.msk @p0 vm0, v12  }
.LBB2_9:
0xaa: {  	[tilespmem:v6+s23+$0x0] =	vst.idx.add.f32.msk @p0 vm0, v7;
	s21 =	sadd.s32 $0x10, s21;
	s23 =	smov.u32 s22;
	s22 =	sadd.s32 $0x10, s22  }
0xab: {  	v7 =	vld [tilespmem:s21+$0x0];
	p1 =	sne.s32 s22, $0x800;
	_ =	sdelay $0x4  }
0xac: {  	v6 =	vadd.f32 $1.019999980e+00, v7;
	_ =	sdelay $0x1  }
0xad: {  	v6 =	vmul.f32 v6, v1;
	_ =	sdelay $0x1  }
0xae: {  	v6 =	vtrunc.f32 v6  }
0xaf: {  	v6 =	vcvt.f32.s32 v6;
	_ =	sdelay $0x1  }
0xb0: {  	vm0 =	veq.s32 v5, v6  }
0xb1: {  	v8 =	vsel vm0, $0x3F800000, v2  }
0xb2: {  	(xrf0) =	vmax.scan.msk.f32 $0xffff, v8;
	_ =	sdelay $0x5  }
0xb3: {  	v8, _, _ =	vpop (xrf0)  }
0xb4: {  	(v2sf) =	vpush v8, $0xF;
	_ =	sdelay $0xe  }
0xb5: {  	s24 =	spop (v2sf)  }
0xb6: {  	p0 =	sgt.f32 s24, $0.0e+00;
	_ =	sdelay $0x1  }
0xb7: {  	vm0 =	veq.s32 @p0 v5, v6;
	s23 =	sand.u32 @p0 $0x7F0, s23  }
0xb8: {  	v8 =	vld @p0 [tilespmem:s23+$0x3800];
	_ =	sdelay $0x1  }
0xb9: {  	v9 =	vld @p0 [tilespmem:s23+$0x4000];
	_ =	sdelay $0x2  }
0xba: {  	v6 =	vadd.f32 @p0 $1.019999980e+00, v8;
	_ =	sdelay $0x1  }
0xbb: {  	v6 =	vmul.f32 @p0 v6, v1;
	v10 =	vadd.f32 @p0 $1.019999980e+00, v9;
	_ =	sdelay $0x1  }
0xbc: {  	v6 =	vtrunc.f32 @p0 v6;
	v10 =	vmul.f32 @p0 v10, v1  }
0xbd: {  	v6 =	vcvt.f32.s32 @p0 v6  }
0xbe: {  	v10 =	vtrunc.f32 @p0 v10  }
0xbf: {  	v10 =	vcvt.f32.s32 @p0 v10;
	v11 =	vadd.s32 @p0 $0xFFFFFFFF, v6;
	v6 =	vmul.u32 @p0 $0x64, v6  }
0xc0: {  	vm1 =	vlt.u32 @p0 v11, $0x64  }
0xc1: {  	v11 =	vadd.s32 @p0 $0xFFFFFFFF, v10;
	v6 =	vadd.s32 @p0 v6, v10  }
0xc2: {  	vm2 =	vlt.u32 @p0 v11, $0x64;
	v6 =	vadd.s32 @p0 $0xFFFFFF9B, v6  }
0xc3: {  	vm1 =	vmand @p0 vm1, vm2;
	vm2 =	vgt.s32 @p0 v6, $0x0  }
0xc4: {  	vm0 =	vmand @p0 vm0, vm1;
	v6 =	vnsel @p0 vm2, $0x0, v6  }
0xc5: {  	v10 =	vmin.u32 @p0 v6, $0x270F  }
0xc6: {  	v11 =	vadd.s32 @p0 $0x2710, v10;
	v12 =	vadd.s32 @p0 $0x4E20, v10;
	v13 =	vadd.s32 @p0 $0x7530, v10  }
0xc7: {  	v15 =	vadd.s32 @p0 $0x9C40, v10;
	v16 =	vadd.s32 @p0 $0xC350, v10;
	v6 =	vadd.s32 @p0 $0xEA60, v10;
	v14 =	vld @p0 [tilespmem:s23+$0x5800]  }
0xc8: {  	v17 =	vld @p0 [tilespmem:s23+$0x4800]  }
0xc9: {  	v18 =	vld @p0 [tilespmem:s23+$0x5000];
	s23 =	simm.s32 @p0 $0x6000  }
0xca: {  	[tilespmem:v10+s23+$0x0] =	vst.idx.add.f32.msk @p0 vm0, v7  }
.Ltmp7:
0xcb: {  	[tilespmem:v11+s23+$0x0] =	vst.idx.add.f32.msk @p0 vm0, v8;
	(pc) =	sbr.rel @p1 .LBB2_9-.Ltmp7, $4  }
0xcc: {  	[tilespmem:v12+s23+$0x0] =	vst.idx.add.f32.msk @p0 vm0, v9  }
0xcd: {  	[tilespmem:v13+s23+$0x0] =	vst.idx.add.f32.msk @p0 vm0, v17  }
0xce: {  	[tilespmem:v15+s23+$0x0] =	vst.idx.add.f32.msk @p0 vm0, v18  }
0xcf: {  	v7 =	vimm.f32 @p0 $1.000000000e+00;
	[tilespmem:v16+s23+$0x0] =	vst.idx.add.f32.msk @p0 vm0, v14  }
0xd0: {  	s20 =	sadd.s32 $0x1, s20  }
0xd1: {  	p1 =	sne.s32 s20, $0x10  }
.Ltmp8:
0xd2: {  	_ = 	snop;
	(pc) =	sbr.rel @p1 .LBB2_6-.Ltmp8, $2  }
0xd3: {  	_ =	sdelay $0x2  }
0xd4: {  	[tilespmem:v6+s23+$0x0] =	vst.idx.add.f32.msk @p0 vm0, v7  }
0xd5: {  	s16 =	scvt.s32.f32 s16;
	_ =	sdelay $0x1  }
0xd6: {  	s16 =	smul.f32 $9.999999770e-03, s16  }
0xd7: {  	s15 =	smul.u32 $0x186A0, s15  }
0xd8: {  	s17 =	simm.s32 $0x0;
	s18 =	simm.s32 $0x0;
	v5 =	vmov s16;
	s16 =	simm.s32 $0x14AA0  }
.LBB2_12:
0xd9: {  	v7 =	vld [tilespmem:s16+$0xFFFFFFC0];
	_ =	sdelay $0x4  }
0xda: {  	v6 =	vmax.f32 v7, $1.000000000e+00  }
0xdb: {  	(erf) = vrcp.f32 v6;
	_ =	sdelay $0x1  }
0xdc: {  	s19 =	smul.u32 $0x7D0, s18;
	_ =	sdelay $0x1  }
0xdd: {  	v8 =	vor.u32 s17, v0;
	v6 =	vmov s19  }
0xde: {  	v10 =	vld [tilespmem:s16+$0xFFFF1560];
	v9 =	vsub.s32 v8, v6  }
0xdf: {  	v9 =	vmul.u32 $0xA, v9;
	_ =	sdelay $0x2  }
0xe0: {  	v11 =	vpop (erf)  }
0xe1: {  	v10 =	vmul.f32 v11, v10  }
0xe2: {  	[tilespmem:s16+$0xFFFF1560] =	vst v2  }
0xe3: {  	[tilespmem:v9+s11+$0x0] =	vst.idx.msk $0xffff, v10  }
0xe4: {  	v10 =	vld [tilespmem:s16+$0xFFFF3C70];
	_ =	sdelay $0x1  }
0xe5: {  	v12 =	vor.u32 $0x1, v9;
	_ =	sdelay $0x2  }
0xe6: {  	v10 =	vmul.f32 v10, v11  }
0xe7: {  	[tilespmem:s16+$0xFFFF3C70] =	vst v2  }
0xe8: {  	[tilespmem:v12+s11+$0x0] =	vst.idx.msk $0xffff, v10  }
0xe9: {  	v10 =	vld [tilespmem:s16+$0xFFFF6380];
	_ =	sdelay $0x1  }
0xea: {  	v20 =	vadd.s32 $0x2, v9;
	_ =	sdelay $0x2  }
0xeb: {  	v10 =	vmul.f32 v10, v11  }
0xec: {  	[tilespmem:s16+$0xFFFF6380] =	vst v2  }
0xed: {  	[tilespmem:v20+s11+$0x0] =	vst.idx.msk $0xffff, v10  }
0xee: {  	v10 =	vld [tilespmem:s16+$0xFFFF8A90];
	_ =	sdelay $0x1  }
0xef: {  	v21 =	vadd.s32 $0x3, v9;
	_ =	sdelay $0x2  }
0xf0: {  	v10 =	vmul.f32 v10, v11  }
0xf1: {  	[tilespmem:s16+$0xFFFF8A90] =	vst v2  }
0xf2: {  	[tilespmem:v21+s11+$0x0] =	vst.idx.msk $0xffff, v10  }
0xf3: {  	v10 =	vld [tilespmem:s16+$0xFFFFB1A0];
	_ =	sdelay $0x1  }
0xf4: {  	v22 =	vadd.s32 $0x4, v9  }
0xf5: {  	v13 =	vmulhi.u32 $0x51EB851F, v8;
	_ =	sdelay $0x1  }
0xf6: {  	v13 =	vshrl.u32 v13, $0x5;
	v10 =	vmul.f32 v10, v11  }
0xf7: {  	v14 =	vmov s17;
	v15 =	vmul.u32 $0xFFFFFF9C, v13;
	[tilespmem:s16+$0xFFFFB1A0] =	vst v2  }
0xf8: {  	[tilespmem:v22+s11+$0x0] =	vst.idx.msk $0xffff, v10;
	v10 =	vsub.s32 v3, v14  }
0xf9: {  	vm0 =	veq.s32 v14, v0;
	vm1 =	vne.s32 v15, v10;
	v10 =	vld [tilespmem:s16+$0xFFFFD8B0]  }
0xfa: {  	vm0 =	vmand vm0, vm1  }
0xfb: {  	v24 =	vadd.s32 $0x5, v9;
	v23 =	vsel vm0, $0xFFFFFFFF, v4  }
0xfc: {  	v12 =	vadd.s32 v23, v13  }
0xfd: {  	v25 =	vadd.s32 $0x6, v9;
	v13 =	vmul.u32 $0xFFFFFF9C, v12  }
0xfe: {  	v10 =	vmul.f32 v10, v11;
	v11 =	vadd.s32 $0x7, v9  }
0xff: {  	v26 =	vadd.s32 $0x8, v9;
	[tilespmem:s16+$0xFFFFD8B0] =	vst v2;
	v12 =	vcvt.s32.f32 v12;
	v8 =	vadd.s32 v8, v13  }
0x100: {  	v9 =	vadd.s32 $0x9, v9;
	v8 =	vcvt.s32.f32 v8;
	[tilespmem:v24+s11+$0x0] =	vst.idx.msk $0xffff, v10  }
0x101: {  	v10 =	vmul.f32 $9.999999770e-03, v12;
	[tilespmem:s16+$0xFFFFFFC0] =	vst v2  }
0x102: {  	v8 =	vmul.f32 $9.999999770e-03, v8;
	[tilespmem:v25+s11+$0x0] =	vst.idx.msk $0xffff, v5  }
0x103: {  	[tilespmem:v11+s11+$0x0] =	vst.idx.msk $0xffff, v10  }
0x104: {  	v7 =	vmin.f32 v7, $1.000000000e+00;
	[tilespmem:v26+s11+$0x0] =	vst.idx.msk $0xffff, v8  }
0x105: {  	[tilespmem:v9+s11+$0x0] =	vst.idx.msk $0xffff, v7  }
0x106: {  	v7 =	vld [tilespmem:s16+$0xFFFFFFD0];
	_ =	sdelay $0x4  }
0x107: {  	v8 =	vmax.f32 v7, $1.000000000e+00  }
0x108: {  	(erf) = vrcp.f32 v8;
	_ =	sdelay $0x2  }
0x109: {  	s28 =	sadd.s32 $0x10, s17  }
0x10a: {  	v8 =	vor.u32 s28, v0  }
0x10b: {  	v10 =	vld [tilespmem:s16+$0xFFFF1570];
	v9 =	vsub.s32 v8, v6  }
0x10c: {  	v9 =	vmul.u32 $0xA, v9;
	_ =	sdelay $0x2  }
0x10d: {  	v11 =	vpop (erf)  }
0x10e: {  	v10 =	vmul.f32 v11, v10  }
0x10f: {  	[tilespmem:s16+$0xFFFF1570] =	vst v2  }
0x110: {  	[tilespmem:v9+s11+$0x0] =	vst.idx.msk $0xffff, v10  }
0x111: {  	v10 =	vld [tilespmem:s16+$0xFFFF3C80];
	_ =	sdelay $0x1  }
0x112: {  	v27 =	vor.u32 $0x1, v9;
	_ =	sdelay $0x2  }
0x113: {  	v10 =	vmul.f32 v10, v11  }
0x114: {  	[tilespmem:s16+$0xFFFF3C80] =	vst v2  }
0x115: {  	[tilespmem:v27+s11+$0x0] =	vst.idx.msk $0xffff, v10  }
0x116: {  	v10 =	vld [tilespmem:s16+$0xFFFF6390];
	_ =	sdelay $0x1  }
0x117: {  	v28 =	vadd.s32 $0x2, v9;
	_ =	sdelay $0x2  }
0x118: {  	v10 =	vmul.f32 v10, v11  }
0x119: {  	[tilespmem:s16+$0xFFFF6390] =	vst v2  }
0x11a: {  	[tilespmem:v28+s11+$0x0] =	vst.idx.msk $0xffff, v10  }
0x11b: {  	v10 =	vld [tilespmem:s16+$0xFFFF8AA0];
	_ =	sdelay $0x1  }
0x11c: {  	v29 =	vadd.s32 $0x3, v9;
	_ =	sdelay $0x2  }
0x11d: {  	v10 =	vmul.f32 v10, v11  }
0x11e: {  	[tilespmem:s16+$0xFFFF8AA0] =	vst v2  }
0x11f: {  	[tilespmem:v29+s11+$0x0] =	vst.idx.msk $0xffff, v10  }
0x120: {  	v10 =	vld [tilespmem:s16+$0xFFFFB1B0];
	_ =	sdelay $0x1  }
0x121: {  	v30 =	vadd.s32 $0x4, v9;
	_ =	sdelay $0x2  }
0x122: {  	v10 =	vmul.f32 v10, v11  }
0x123: {  	[tilespmem:s16+$0xFFFFB1B0] =	vst v2  }
0x124: {  	[tilespmem:v30+s11+$0x0] =	vst.idx.msk $0xffff, v10  }
0x125: {  	v10 =	vld [tilespmem:s16+$0xFFFFD8C0]  }
0x126: {  	v31 =	vmulhi.u32 $0x51EB851F, v8  }
0x127: {  	v32 =	vadd.s32 $0x5, v9  }
0x128: {  	v12 =	vshrl.u32 v31, $0x5  }
0x129: {  	v33 =	vmul.u32 $0xFFFFFF9C, v12;
	v34 =	vadd.s32 $0x6, v9  }
0x12a: {  	v10 =	vmul.f32 v10, v11;
	v11 =	vadd.s32 $0x7, v9  }
0x12b: {  	v12 =	vcvt.s32.f32 v12;
	v35 =	vadd.s32 $0x8, v9;
	v8 =	vadd.s32 v8, v33;
	[tilespmem:s16+$0xFFFFD8C0] =	vst v2  }
0x12c: {  	v8 =	vcvt.s32.f32 v8;
	v9 =	vadd.s32 $0x9, v9;
	[tilespmem:v32+s11+$0x0] =	vst.idx.msk $0xffff, v10  }
0x12d: {  	v10 =	vmul.f32 $9.999999770e-03, v12;
	[tilespmem:s16+$0xFFFFFFD0] =	vst v2  }
0x12e: {  	v8 =	vmul.f32 $9.999999770e-03, v8;
	[tilespmem:v34+s11+$0x0] =	vst.idx.msk $0xffff, v5  }
0x12f: {  	[tilespmem:v11+s11+$0x0] =	vst.idx.msk $0xffff, v10  }
0x130: {  	v7 =	vmin.f32 v7, $1.000000000e+00;
	[tilespmem:v35+s11+$0x0] =	vst.idx.msk $0xffff, v8  }
0x131: {  	[tilespmem:v9+s11+$0x0] =	vst.idx.msk $0xffff, v7  }
0x132: {  	v7 =	vld [tilespmem:s16+$0xFFFFFFE0];
	_ =	sdelay $0x4  }
0x133: {  	v8 =	vmax.f32 v7, $1.000000000e+00  }
0x134: {  	(erf) = vrcp.f32 v8;
	_ =	sdelay $0x2  }
0x135: {  	s29 =	sadd.s32 $0x20, s17  }
0x136: {  	v8 =	vor.u32 s29, v0  }
0x137: {  	v10 =	vld [tilespmem:s16+$0xFFFF1580];
	v9 =	vsub.s32 v8, v6  }
0x138: {  	v9 =	vmul.u32 $0xA, v9;
	_ =	sdelay $0x2  }
0x139: {  	v11 =	vpop (erf)  }
0x13a: {  	v10 =	vmul.f32 v11, v10  }
0x13b: {  	[tilespmem:s16+$0xFFFF1580] =	vst v2  }
0x13c: {  	[tilespmem:v9+s11+$0x0] =	vst.idx.msk $0xffff, v10  }
0x13d: {  	v10 =	vld [tilespmem:s16+$0xFFFF3C90];
	_ =	sdelay $0x1  }
0x13e: {  	v36 =	vor.u32 $0x1, v9;
	_ =	sdelay $0x2  }
0x13f: {  	v10 =	vmul.f32 v10, v11  }
0x140: {  	[tilespmem:s16+$0xFFFF3C90] =	vst v2  }
0x141: {  	[tilespmem:v36+s11+$0x0] =	vst.idx.msk $0xffff, v10  }
0x142: {  	v10 =	vld [tilespmem:s16+$0xFFFF63A0];
	_ =	sdelay $0x1  }
0x143: {  	v37 =	vadd.s32 $0x2, v9;
	_ =	sdelay $0x2  }
0x144: {  	v10 =	vmul.f32 v10, v11  }
0x145: {  	[tilespmem:s16+$0xFFFF63A0] =	vst v2  }
0x146: {  	[tilespmem:v37+s11+$0x0] =	vst.idx.msk $0xffff, v10  }
0x147: {  	v10 =	vld [tilespmem:s16+$0xFFFF8AB0];
	_ =	sdelay $0x1  }
0x148: {  	v38 =	vadd.s32 $0x3, v9;
	_ =	sdelay $0x2  }
0x149: {  	v10 =	vmul.f32 v10, v11  }
0x14a: {  	[tilespmem:s16+$0xFFFF8AB0] =	vst v2  }
0x14b: {  	[tilespmem:v38+s11+$0x0] =	vst.idx.msk $0xffff, v10  }
0x14c: {  	v10 =	vld [tilespmem:s16+$0xFFFFB1C0];
	_ =	sdelay $0x1  }
0x14d: {  	v39 =	vadd.s32 $0x4, v9;
	_ =	sdelay $0x2  }
0x14e: {  	v10 =	vmul.f32 v10, v11  }
0x14f: {  	[tilespmem:s16+$0xFFFFB1C0] =	vst v2  }
0x150: {  	[tilespmem:v39+s11+$0x0] =	vst.idx.msk $0xffff, v10  }
0x151: {  	v10 =	vld [tilespmem:s16+$0xFFFFD8D0]  }
0x152: {  	v40 =	vmulhi.u32 $0x51EB851F, v8  }
0x153: {  	v41 =	vadd.s32 $0x5, v9  }
0x154: {  	v12 =	vshrl.u32 v40, $0x5  }
0x155: {  	v42 =	vmul.u32 $0xFFFFFF9C, v12;
	v43 =	vadd.s32 $0x6, v9  }
0x156: {  	v10 =	vmul.f32 v10, v11;
	v11 =	vadd.s32 $0x7, v9  }
0x157: {  	v12 =	vcvt.s32.f32 v12;
	v44 =	vadd.s32 $0x8, v9;
	v8 =	vadd.s32 v8, v42;
	[tilespmem:s16+$0xFFFFD8D0] =	vst v2  }
0x158: {  	v8 =	vcvt.s32.f32 v8;
	v9 =	vadd.s32 $0x9, v9;
	[tilespmem:v41+s11+$0x0] =	vst.idx.msk $0xffff, v10  }
0x159: {  	v10 =	vmul.f32 $9.999999770e-03, v12;
	[tilespmem:s16+$0xFFFFFFE0] =	vst v2  }
0x15a: {  	v8 =	vmul.f32 $9.999999770e-03, v8;
	[tilespmem:v43+s11+$0x0] =	vst.idx.msk $0xffff, v5  }
0x15b: {  	[tilespmem:v11+s11+$0x0] =	vst.idx.msk $0xffff, v10  }
0x15c: {  	v7 =	vmin.f32 v7, $1.000000000e+00;
	[tilespmem:v44+s11+$0x0] =	vst.idx.msk $0xffff, v8  }
0x15d: {  	[tilespmem:v9+s11+$0x0] =	vst.idx.msk $0xffff, v7  }
0x15e: {  	v7 =	vld [tilespmem:s16+$0xFFFFFFF0];
	_ =	sdelay $0x4  }
0x15f: {  	v8 =	vmax.f32 v7, $1.000000000e+00  }
0x160: {  	(erf) = vrcp.f32 v8;
	_ =	sdelay $0x2  }
0x161: {  	s30 =	sadd.s32 $0x30, s17  }
0x162: {  	v8 =	vor.u32 s30, v0  }
0x163: {  	v9 =	vld [tilespmem:s16+$0xFFFF1590];
	v10 =	vsub.s32 v8, v6  }
0x164: {  	v10 =	vmul.u32 $0xA, v10;
	_ =	sdelay $0x2  }
0x165: {  	v11 =	vpop (erf)  }
0x166: {  	v9 =	vmul.f32 v11, v9  }
0x167: {  	[tilespmem:s16+$0xFFFF1590] =	vst v2  }
0x168: {  	[tilespmem:v10+s11+$0x0] =	vst.idx.msk $0xffff, v9  }
0x169: {  	v9 =	vld [tilespmem:s16+$0xFFFF3CA0];
	_ =	sdelay $0x1  }
0x16a: {  	v45 =	vor.u32 $0x1, v10;
	_ =	sdelay $0x2  }
0x16b: {  	v9 =	vmul.f32 v9, v11  }
0x16c: {  	[tilespmem:s16+$0xFFFF3CA0] =	vst v2  }
0x16d: {  	[tilespmem:v45+s11+$0x0] =	vst.idx.msk $0xffff, v9  }
0x16e: {  	v9 =	vld [tilespmem:s16+$0xFFFF63B0];
	_ =	sdelay $0x1  }
0x16f: {  	v46 =	vadd.s32 $0x2, v10;
	_ =	sdelay $0x2  }
0x170: {  	v9 =	vmul.f32 v9, v11  }
0x171: {  	[tilespmem:s16+$0xFFFF63B0] =	vst v2  }
0x172: {  	[tilespmem:v46+s11+$0x0] =	vst.idx.msk $0xffff, v9  }
0x173: {  	v9 =	vld [tilespmem:s16+$0xFFFF8AC0];
	_ =	sdelay $0x1  }
0x174: {  	v47 =	vadd.s32 $0x3, v10;
	_ =	sdelay $0x2  }
0x175: {  	v9 =	vmul.f32 v9, v11  }
0x176: {  	[tilespmem:s16+$0xFFFF8AC0] =	vst v2  }
0x177: {  	[tilespmem:v47+s11+$0x0] =	vst.idx.msk $0xffff, v9  }
0x178: {  	v9 =	vld [tilespmem:s16+$0xFFFFB1D0];
	_ =	sdelay $0x1  }
0x179: {  	v48 =	vadd.s32 $0x4, v10;
	_ =	sdelay $0x2  }
0x17a: {  	v9 =	vmul.f32 v9, v11  }
0x17b: {  	[tilespmem:s16+$0xFFFFB1D0] =	vst v2  }
0x17c: {  	[tilespmem:v48+s11+$0x0] =	vst.idx.msk $0xffff, v9  }
0x17d: {  	v9 =	vld [tilespmem:s16+$0xFFFFD8E0]  }
0x17e: {  	v49 =	vmulhi.u32 $0x51EB851F, v8  }
0x17f: {  	v50 =	vadd.s32 $0x5, v10  }
0x180: {  	v12 =	vshrl.u32 v49, $0x5  }
0x181: {  	v51 =	vmul.u32 $0xFFFFFF9C, v12;
	v52 =	vadd.s32 $0x6, v10  }
0x182: {  	v9 =	vmul.f32 v9, v11;
	v11 =	vadd.s32 $0x7, v10  }
0x183: {  	v12 =	vcvt.s32.f32 v12;
	v53 =	vadd.s32 $0x8, v10;
	v8 =	vadd.s32 v8, v51;
	[tilespmem:s16+$0xFFFFD8E0] =	vst v2  }
0x184: {  	v8 =	vcvt.s32.f32 v8;
	[tilespmem:v50+s11+$0x0] =	vst.idx.msk $0xffff, v9;
	v9 =	vadd.s32 $0x9, v10  }
0x185: {  	v10 =	vmul.f32 $9.999999770e-03, v12;
	[tilespmem:s16+$0xFFFFFFF0] =	vst v2  }
0x186: {  	v8 =	vmul.f32 $9.999999770e-03, v8;
	[tilespmem:v52+s11+$0x0] =	vst.idx.msk $0xffff, v5  }
0x187: {  	[tilespmem:v11+s11+$0x0] =	vst.idx.msk $0xffff, v10  }
0x188: {  	v7 =	vmin.f32 v7, $1.000000000e+00;
	[tilespmem:v53+s11+$0x0] =	vst.idx.msk $0xffff, v8  }
0x189: {  	[tilespmem:v9+s11+$0x0] =	vst.idx.msk $0xffff, v7  }
0x18a: {  	v8 =	vld [tilespmem:s16+$0x0];
	_ =	sdelay $0x4  }
0x18b: {  	v7 =	vmax.f32 v8, $1.000000000e+00  }
0x18c: {  	(erf) = vrcp.f32 v7;
	_ =	sdelay $0x2  }
0x18d: {  	s31 =	sadd.s32 $0x40, s17  }
0x18e: {  	v7 =	vor.u32 s31, v0  }
0x18f: {  	v9 =	vld [tilespmem:s16+$0xFFFF15A0];
	v10 =	vsub.s32 v7, v6  }
0x190: {  	v10 =	vmul.u32 $0xA, v10;
	_ =	sdelay $0x2  }
0x191: {  	v11 =	vpop (erf)  }
0x192: {  	v9 =	vmul.f32 v11, v9  }
0x193: {  	[tilespmem:s16+$0xFFFF15A0] =	vst v2  }
0x194: {  	[tilespmem:v10+s11+$0x0] =	vst.idx.msk $0xffff, v9  }
0x195: {  	v9 =	vld [tilespmem:s16+$0xFFFF3CB0];
	_ =	sdelay $0x1  }
0x196: {  	v54 =	vor.u32 $0x1, v10;
	_ =	sdelay $0x2  }
0x197: {  	v9 =	vmul.f32 v9, v11  }
0x198: {  	[tilespmem:s16+$0xFFFF3CB0] =	vst v2  }
0x199: {  	[tilespmem:v54+s11+$0x0] =	vst.idx.msk $0xffff, v9  }
0x19a: {  	v9 =	vld [tilespmem:s16+$0xFFFF63C0];
	_ =	sdelay $0x1  }
0x19b: {  	v55 =	vadd.s32 $0x2, v10;
	_ =	sdelay $0x2  }
0x19c: {  	v9 =	vmul.f32 v9, v11  }
0x19d: {  	[tilespmem:s16+$0xFFFF63C0] =	vst v2  }
0x19e: {  	[tilespmem:v55+s11+$0x0] =	vst.idx.msk $0xffff, v9  }
0x19f: {  	v9 =	vld [tilespmem:s16+$0xFFFF8AD0];
	_ =	sdelay $0x1  }
0x1a0: {  	v56 =	vadd.s32 $0x3, v10;
	_ =	sdelay $0x2  }
0x1a1: {  	v9 =	vmul.f32 v9, v11  }
0x1a2: {  	[tilespmem:s16+$0xFFFF8AD0] =	vst v2  }
0x1a3: {  	[tilespmem:v56+s11+$0x0] =	vst.idx.msk $0xffff, v9  }
0x1a4: {  	v9 =	vld [tilespmem:s16+$0xFFFFB1E0];
	_ =	sdelay $0x1  }
0x1a5: {  	v57 =	vadd.s32 $0x4, v10;
	_ =	sdelay $0x2  }
0x1a6: {  	v9 =	vmul.f32 v9, v11  }
0x1a7: {  	[tilespmem:s16+$0xFFFFB1E0] =	vst v2  }
0x1a8: {  	v58 =	vmulhi.u32 $0x51EB851F, v7;
	[tilespmem:v57+s11+$0x0] =	vst.idx.msk $0xffff, v9  }
0x1a9: {  	v9 =	vld [tilespmem:s16+$0xFFFFD8F0]  }
0x1aa: {  	v12 =	vshrl.u32 v58, $0x5  }
0x1ab: {  	v59 =	vadd.s32 $0x5, v10;
	v60 =	vmul.u32 $0xFFFFFF9C, v12;
	_ =	sdelay $0x1  }
0x1ac: {  	v61 =	vadd.s32 $0x6, v10;
	v7 =	vadd.s32 v7, v60  }
0x1ad: {  	v7 =	vcvt.s32.f32 v7;
	v9 =	vmul.f32 v9, v11;
	v11 =	vadd.s32 $0x7, v10  }
0x1ae: {  	v12 =	vcvt.s32.f32 v12;
	v62 =	vadd.s32 $0x8, v10;
	[tilespmem:s16+$0xFFFFD8F0] =	vst v2  }
0x1af: {  	v63 =	vmul.f32 $9.999999770e-03, v7;
	v7 =	vadd.s32 $0x9, v10;
	[tilespmem:v59+s11+$0x0] =	vst.idx.msk $0xffff, v9  }
0x1b0: {  	v9 =	vmul.f32 $9.999999770e-03, v12;
	[tilespmem:s16+$0x0] =	vst v2  }
0x1b1: {  	[tilespmem:v61+s11+$0x0] =	vst.idx.msk $0xffff, v5  }
0x1b2: {  	[tilespmem:v11+s11+$0x0] =	vst.idx.msk $0xffff, v9  }
0x1b3: {  	s20 =	smov.u32 s16;
	s21 =	smov.u32 s17;
	s19 =	simm.s32 $0x0;
	v8 =	vmin.f32 v8, $1.000000000e+00;
	[tilespmem:v62+s11+$0x0] =	vst.idx.msk $0xffff, v63  }
.LBB2_13:
0x1b4: {  	s19 =	sadd.s32 $0x5, s19;
	[tilespmem:v7+s11+$0x0] =	vst.idx.msk $0xffff, v8;
	s20 =	sadd.s32 $0x50, s20;
	s21 =	sadd.s32 $0x50, s21  }
0x1b5: {  	v7 =	vld [tilespmem:s20+$0xFFFFFFC0];
	p0 =	slt.u32 s19, $0x78;
	_ =	sdelay $0x4  }
0x1b6: {  	v8 =	vmax.f32 v7, $1.000000000e+00  }
0x1b7: {  	(erf) = vrcp.f32 v8;
	_ =	sdelay $0x3  }
0x1b8: {  	v8 =	vor.u32 s21, v0  }
0x1b9: {  	v9 =	vmulhi.u32 $0x51EB851F, v8;
	v10 =	vsub.s32 v8, v6;
	v11 =	vld [tilespmem:s20+$0xFFFF1560]  }
0x1ba: {  	v10 =	vmul.u32 $0xA, v10  }
0x1bb: {  	v9 =	vshrl.u32 v9, $0x5  }
0x1bc: {  	v12 =	vmov s21;
	v13 =	vmul.u32 $0xFFFFFF9C, v9  }
0x1bd: {  	v14 =	vsub.s32 v3, v12;
	v15 =	vpop (erf)  }
0x1be: {  	vm0 =	veq.s32 v12, v0;
	vm1 =	vne.s32 v13, v14;
	v11 =	vmul.f32 v15, v11  }
0x1bf: {  	vm0 =	vmand vm0, vm1;
	[tilespmem:s20+$0xFFFF1560] =	vst v2  }
0x1c0: {  	v12 =	vsel vm0, $0xFFFFFFFF, v4;
	[tilespmem:v10+s11+$0x0] =	vst.idx.msk $0xffff, v11  }
0x1c1: {  	v9 =	vadd.s32 v12, v9;
	v11 =	vld [tilespmem:s20+$0xFFFF3C70]  }
0x1c2: {  	v12 =	vmul.u32 $0xFFFFFF9C, v9;
	v9 =	vcvt.s32.f32 v9  }
0x1c3: {  	v13 =	vor.u32 $0x1, v10  }
0x1c4: {  	v8 =	vadd.s32 v8, v12  }
0x1c5: {  	v8 =	vcvt.s32.f32 v8  }
0x1c6: {  	v11 =	vmul.f32 v11, v15  }
0x1c7: {  	[tilespmem:s20+$0xFFFF3C70] =	vst v2  }
0x1c8: {  	[tilespmem:v13+s11+$0x0] =	vst.idx.msk $0xffff, v11  }
0x1c9: {  	v11 =	vld [tilespmem:s20+$0xFFFF6380];
	_ =	sdelay $0x1  }
0x1ca: {  	v12 =	vadd.s32 $0x2, v10;
	_ =	sdelay $0x2  }
0x1cb: {  	v11 =	vmul.f32 v11, v15  }
0x1cc: {  	[tilespmem:s20+$0xFFFF6380] =	vst v2  }
0x1cd: {  	[tilespmem:v12+s11+$0x0] =	vst.idx.msk $0xffff, v11  }
0x1ce: {  	v11 =	vld [tilespmem:s20+$0xFFFF8A90];
	_ =	sdelay $0x1  }
0x1cf: {  	v12 =	vadd.s32 $0x3, v10;
	_ =	sdelay $0x2  }
0x1d0: {  	v11 =	vmul.f32 v11, v15  }
0x1d1: {  	[tilespmem:s20+$0xFFFF8A90] =	vst v2  }
0x1d2: {  	[tilespmem:v12+s11+$0x0] =	vst.idx.msk $0xffff, v11  }
0x1d3: {  	v11 =	vld [tilespmem:s20+$0xFFFFB1A0];
	_ =	sdelay $0x1  }
0x1d4: {  	v12 =	vadd.s32 $0x4, v10;
	_ =	sdelay $0x2  }
0x1d5: {  	v11 =	vmul.f32 v11, v15  }
0x1d6: {  	[tilespmem:s20+$0xFFFFB1A0] =	vst v2  }
0x1d7: {  	[tilespmem:v12+s11+$0x0] =	vst.idx.msk $0xffff, v11  }
0x1d8: {  	v11 =	vld [tilespmem:s20+$0xFFFFD8B0];
	_ =	sdelay $0x1  }
0x1d9: {  	v12 =	vadd.s32 $0x5, v10;
	_ =	sdelay $0x1  }
0x1da: {  	v13 =	vadd.s32 $0x6, v10  }
0x1db: {  	v14 =	vadd.s32 $0x7, v10;
	v11 =	vmul.f32 v11, v15  }
0x1dc: {  	v15 =	vadd.s32 $0x8, v10;
	[tilespmem:s20+$0xFFFFD8B0] =	vst v2  }
0x1dd: {  	v10 =	vadd.s32 $0x9, v10;
	[tilespmem:v12+s11+$0x0] =	vst.idx.msk $0xffff, v11  }
0x1de: {  	v9 =	vmul.f32 $9.999999770e-03, v9;
	[tilespmem:s20+$0xFFFFFFC0] =	vst v2  }
0x1df: {  	v8 =	vmul.f32 $9.999999770e-03, v8;
	[tilespmem:v13+s11+$0x0] =	vst.idx.msk $0xffff, v5  }
0x1e0: {  	[tilespmem:v14+s11+$0x0] =	vst.idx.msk $0xffff, v9  }
0x1e1: {  	v7 =	vmin.f32 v7, $1.000000000e+00;
	[tilespmem:v15+s11+$0x0] =	vst.idx.msk $0xffff, v8  }
0x1e2: {  	[tilespmem:v10+s11+$0x0] =	vst.idx.msk $0xffff, v7  }
0x1e3: {  	v7 =	vld [tilespmem:s20+$0xFFFFFFD0];
	_ =	sdelay $0x4  }
0x1e4: {  	v8 =	vmax.f32 v7, $1.000000000e+00  }
0x1e5: {  	(erf) = vrcp.f32 v8;
	_ =	sdelay $0x2  }
0x1e6: {  	s22 =	sadd.s32 $0x10, s21  }
0x1e7: {  	v8 =	vor.u32 s22, v0  }
0x1e8: {  	v9 =	vmulhi.u32 $0x51EB851F, v8;
	v10 =	vsub.s32 v8, v6;
	v11 =	vld [tilespmem:s20+$0xFFFF1570]  }
0x1e9: {  	v10 =	vmul.u32 $0xA, v10  }
0x1ea: {  	v9 =	vshrl.u32 v9, $0x5  }
0x1eb: {  	v12 =	vmul.u32 $0xFFFFFF9C, v9;
	v9 =	vcvt.s32.f32 v9  }
0x1ec: {  	v13 =	vpop (erf)  }
0x1ed: {  	v8 =	vadd.s32 v8, v12;
	v11 =	vmul.f32 v13, v11  }
0x1ee: {  	v8 =	vcvt.s32.f32 v8;
	[tilespmem:s20+$0xFFFF1570] =	vst v2  }
0x1ef: {  	[tilespmem:v10+s11+$0x0] =	vst.idx.msk $0xffff, v11  }
0x1f0: {  	v11 =	vld [tilespmem:s20+$0xFFFF3C80];
	_ =	sdelay $0x1  }
0x1f1: {  	v12 =	vor.u32 $0x1, v10;
	_ =	sdelay $0x2  }
0x1f2: {  	v11 =	vmul.f32 v11, v13  }
0x1f3: {  	[tilespmem:s20+$0xFFFF3C80] =	vst v2  }
0x1f4: {  	[tilespmem:v12+s11+$0x0] =	vst.idx.msk $0xffff, v11  }
0x1f5: {  	v11 =	vld [tilespmem:s20+$0xFFFF6390];
	_ =	sdelay $0x1  }
0x1f6: {  	v12 =	vadd.s32 $0x2, v10;
	_ =	sdelay $0x2  }
0x1f7: {  	v11 =	vmul.f32 v11, v13  }
0x1f8: {  	[tilespmem:s20+$0xFFFF6390] =	vst v2  }
0x1f9: {  	[tilespmem:v12+s11+$0x0] =	vst.idx.msk $0xffff, v11  }
0x1fa: {  	v11 =	vld [tilespmem:s20+$0xFFFF8AA0];
	_ =	sdelay $0x1  }
0x1fb: {  	v12 =	vadd.s32 $0x3, v10;
	_ =	sdelay $0x2  }
0x1fc: {  	v11 =	vmul.f32 v11, v13  }
0x1fd: {  	[tilespmem:s20+$0xFFFF8AA0] =	vst v2  }
0x1fe: {  	[tilespmem:v12+s11+$0x0] =	vst.idx.msk $0xffff, v11  }
0x1ff: {  	v11 =	vld [tilespmem:s20+$0xFFFFB1B0];
	_ =	sdelay $0x1  }
0x200: {  	v12 =	vadd.s32 $0x4, v10;
	_ =	sdelay $0x2  }
0x201: {  	v11 =	vmul.f32 v11, v13  }
0x202: {  	[tilespmem:s20+$0xFFFFB1B0] =	vst v2  }
0x203: {  	[tilespmem:v12+s11+$0x0] =	vst.idx.msk $0xffff, v11  }
0x204: {  	v11 =	vld [tilespmem:s20+$0xFFFFD8C0];
	_ =	sdelay $0x1  }
0x205: {  	v12 =	vadd.s32 $0x5, v10;
	_ =	sdelay $0x1  }
0x206: {  	v14 =	vadd.s32 $0x6, v10  }
0x207: {  	v11 =	vmul.f32 v11, v13;
	v13 =	vadd.s32 $0x7, v10  }
0x208: {  	v15 =	vadd.s32 $0x8, v10;
	[tilespmem:s20+$0xFFFFD8C0] =	vst v2  }
0x209: {  	v10 =	vadd.s32 $0x9, v10;
	[tilespmem:v12+s11+$0x0] =	vst.idx.msk $0xffff, v11  }
0x20a: {  	v9 =	vmul.f32 $9.999999770e-03, v9;
	[tilespmem:s20+$0xFFFFFFD0] =	vst v2  }
0x20b: {  	v8 =	vmul.f32 $9.999999770e-03, v8;
	[tilespmem:v14+s11+$0x0] =	vst.idx.msk $0xffff, v5  }
0x20c: {  	[tilespmem:v13+s11+$0x0] =	vst.idx.msk $0xffff, v9  }
0x20d: {  	v7 =	vmin.f32 v7, $1.000000000e+00;
	[tilespmem:v15+s11+$0x0] =	vst.idx.msk $0xffff, v8  }
0x20e: {  	[tilespmem:v10+s11+$0x0] =	vst.idx.msk $0xffff, v7  }
0x20f: {  	v7 =	vld [tilespmem:s20+$0xFFFFFFE0];
	_ =	sdelay $0x4  }
0x210: {  	v8 =	vmax.f32 v7, $1.000000000e+00  }
0x211: {  	(erf) = vrcp.f32 v8;
	_ =	sdelay $0x2  }
0x212: {  	s22 =	sadd.s32 $0x20, s21  }
0x213: {  	v8 =	vor.u32 s22, v0  }
0x214: {  	v9 =	vmulhi.u32 $0x51EB851F, v8;
	v10 =	vsub.s32 v8, v6;
	v11 =	vld [tilespmem:s20+$0xFFFF1580]  }
0x215: {  	v10 =	vmul.u32 $0xA, v10  }
0x216: {  	v9 =	vshrl.u32 v9, $0x5  }
0x217: {  	v12 =	vmul.u32 $0xFFFFFF9C, v9;
	v9 =	vcvt.s32.f32 v9  }
0x218: {  	v13 =	vpop (erf)  }
0x219: {  	v8 =	vadd.s32 v8, v12;
	v11 =	vmul.f32 v13, v11  }
0x21a: {  	v8 =	vcvt.s32.f32 v8;
	[tilespmem:s20+$0xFFFF1580] =	vst v2  }
0x21b: {  	[tilespmem:v10+s11+$0x0] =	vst.idx.msk $0xffff, v11  }
0x21c: {  	v11 =	vld [tilespmem:s20+$0xFFFF3C90];
	_ =	sdelay $0x1  }
0x21d: {  	v12 =	vor.u32 $0x1, v10;
	_ =	sdelay $0x2  }
0x21e: {  	v11 =	vmul.f32 v11, v13  }
0x21f: {  	[tilespmem:s20+$0xFFFF3C90] =	vst v2  }
0x220: {  	[tilespmem:v12+s11+$0x0] =	vst.idx.msk $0xffff, v11  }
0x221: {  	v11 =	vld [tilespmem:s20+$0xFFFF63A0];
	_ =	sdelay $0x1  }
0x222: {  	v12 =	vadd.s32 $0x2, v10;
	_ =	sdelay $0x2  }
0x223: {  	v11 =	vmul.f32 v11, v13  }
0x224: {  	[tilespmem:s20+$0xFFFF63A0] =	vst v2  }
0x225: {  	[tilespmem:v12+s11+$0x0] =	vst.idx.msk $0xffff, v11  }
0x226: {  	v11 =	vld [tilespmem:s20+$0xFFFF8AB0];
	_ =	sdelay $0x1  }
0x227: {  	v12 =	vadd.s32 $0x3, v10;
	_ =	sdelay $0x2  }
0x228: {  	v11 =	vmul.f32 v11, v13  }
0x229: {  	[tilespmem:s20+$0xFFFF8AB0] =	vst v2  }
0x22a: {  	[tilespmem:v12+s11+$0x0] =	vst.idx.msk $0xffff, v11  }
0x22b: {  	v11 =	vld [tilespmem:s20+$0xFFFFB1C0];
	_ =	sdelay $0x1  }
0x22c: {  	v12 =	vadd.s32 $0x4, v10;
	_ =	sdelay $0x2  }
0x22d: {  	v11 =	vmul.f32 v11, v13  }
0x22e: {  	[tilespmem:s20+$0xFFFFB1C0] =	vst v2  }
0x22f: {  	[tilespmem:v12+s11+$0x0] =	vst.idx.msk $0xffff, v11  }
0x230: {  	v11 =	vld [tilespmem:s20+$0xFFFFD8D0]  }
0x231: {  	[tilespmem:s20+$0xFFFFD8D0] =	vst v2  }
0x232: {  	v12 =	vadd.s32 $0x5, v10;
	_ =	sdelay $0x1  }
0x233: {  	v14 =	vadd.s32 $0x6, v10  }
0x234: {  	v11 =	vmul.f32 v11, v13;
	v13 =	vadd.s32 $0x7, v10  }
0x235: {  	v15 =	vadd.s32 $0x8, v10  }
0x236: {  	v10 =	vadd.s32 $0x9, v10;
	[tilespmem:v12+s11+$0x0] =	vst.idx.msk $0xffff, v11  }
0x237: {  	v9 =	vmul.f32 $9.999999770e-03, v9;
	[tilespmem:s20+$0xFFFFFFE0] =	vst v2  }
0x238: {  	v8 =	vmul.f32 $9.999999770e-03, v8;
	[tilespmem:v14+s11+$0x0] =	vst.idx.msk $0xffff, v5  }
0x239: {  	[tilespmem:v13+s11+$0x0] =	vst.idx.msk $0xffff, v9  }
0x23a: {  	v7 =	vmin.f32 v7, $1.000000000e+00;
	[tilespmem:v15+s11+$0x0] =	vst.idx.msk $0xffff, v8  }
0x23b: {  	[tilespmem:v10+s11+$0x0] =	vst.idx.msk $0xffff, v7  }
0x23c: {  	v7 =	vld [tilespmem:s20+$0xFFFFFFF0]  }
0x23d: {  	v8 =	vld [tilespmem:s20+$0xFFFF1590]  }
0x23e: {  	[tilespmem:s20+$0xFFFF1590] =	vst v2;
	_ =	sdelay $0x2  }
0x23f: {  	v9 =	vmax.f32 v7, $1.000000000e+00  }
0x240: {  	(erf) = vrcp.f32 v9;
	_ =	sdelay $0x2  }
0x241: {  	s22 =	sadd.s32 $0x30, s21  }
0x242: {  	v9 =	vor.u32 s22, v0  }
0x243: {  	v10 =	vmulhi.u32 $0x51EB851F, v9;
	v11 =	vsub.s32 v9, v6  }
0x244: {  	v11 =	vmul.u32 $0xA, v11  }
0x245: {  	v10 =	vshrl.u32 v10, $0x5  }
0x246: {  	v12 =	vmul.u32 $0xFFFFFF9C, v10;
	v10 =	vcvt.s32.f32 v10  }
0x247: {  	v13 =	vpop (erf)  }
0x248: {  	v9 =	vadd.s32 v9, v12;
	v8 =	vmul.f32 v13, v8  }
0x249: {  	v9 =	vcvt.s32.f32 v9  }
0x24a: {  	[tilespmem:v11+s11+$0x0] =	vst.idx.msk $0xffff, v8  }
0x24b: {  	v8 =	vld [tilespmem:s20+$0xFFFF3CA0]  }
0x24c: {  	[tilespmem:s20+$0xFFFF3CA0] =	vst v2  }
0x24d: {  	v12 =	vor.u32 $0x1, v11;
	_ =	sdelay $0x2  }
0x24e: {  	v8 =	vmul.f32 v8, v13;
	_ =	sdelay $0x1  }
0x24f: {  	[tilespmem:v12+s11+$0x0] =	vst.idx.msk $0xffff, v8  }
0x250: {  	v8 =	vld [tilespmem:s20+$0xFFFF63B0]  }
0x251: {  	[tilespmem:s20+$0xFFFF63B0] =	vst v2  }
0x252: {  	v12 =	vadd.s32 $0x2, v11;
	_ =	sdelay $0x2  }
0x253: {  	v8 =	vmul.f32 v8, v13;
	_ =	sdelay $0x1  }
0x254: {  	[tilespmem:v12+s11+$0x0] =	vst.idx.msk $0xffff, v8  }
0x255: {  	v8 =	vld [tilespmem:s20+$0xFFFF8AC0]  }
0x256: {  	[tilespmem:s20+$0xFFFF8AC0] =	vst v2  }
0x257: {  	v12 =	vadd.s32 $0x3, v11;
	_ =	sdelay $0x2  }
0x258: {  	v8 =	vmul.f32 v8, v13;
	_ =	sdelay $0x1  }
0x259: {  	[tilespmem:v12+s11+$0x0] =	vst.idx.msk $0xffff, v8  }
0x25a: {  	v8 =	vld [tilespmem:s20+$0xFFFFB1D0]  }
0x25b: {  	[tilespmem:s20+$0xFFFFB1D0] =	vst v2  }
0x25c: {  	v12 =	vadd.s32 $0x4, v11;
	_ =	sdelay $0x2  }
0x25d: {  	v8 =	vmul.f32 v8, v13;
	_ =	sdelay $0x1  }
0x25e: {  	[tilespmem:v12+s11+$0x0] =	vst.idx.msk $0xffff, v8  }
0x25f: {  	v8 =	vld [tilespmem:s20+$0xFFFFD8E0]  }
0x260: {  	[tilespmem:s20+$0xFFFFD8E0] =	vst v2  }
0x261: {  	v12 =	vadd.s32 $0x5, v11;
	_ =	sdelay $0x1  }
0x262: {  	v14 =	vadd.s32 $0x6, v11  }
0x263: {  	v8 =	vmul.f32 v8, v13;
	v13 =	vadd.s32 $0x7, v11  }
0x264: {  	v15 =	vadd.s32 $0x8, v11  }
0x265: {  	[tilespmem:v12+s11+$0x0] =	vst.idx.msk $0xffff, v8;
	v8 =	vadd.s32 $0x9, v11  }
0x266: {  	v10 =	vmul.f32 $9.999999770e-03, v10;
	[tilespmem:s20+$0xFFFFFFF0] =	vst v2  }
0x267: {  	v9 =	vmul.f32 $9.999999770e-03, v9;
	[tilespmem:v14+s11+$0x0] =	vst.idx.msk $0xffff, v5  }
0x268: {  	[tilespmem:v13+s11+$0x0] =	vst.idx.msk $0xffff, v10  }
0x269: {  	v7 =	vmin.f32 v7, $1.000000000e+00;
	[tilespmem:v15+s11+$0x0] =	vst.idx.msk $0xffff, v9  }
0x26a: {  	[tilespmem:v8+s11+$0x0] =	vst.idx.msk $0xffff, v7  }
0x26b: {  	v8 =	vld [tilespmem:s20+$0x0]  }
0x26c: {  	v7 =	vld [tilespmem:s20+$0xFFFF15A0]  }
0x26d: {  	[tilespmem:s20+$0xFFFF15A0] =	vst v2;
	_ =	sdelay $0x2  }
0x26e: {  	v9 =	vmax.f32 v8, $1.000000000e+00  }
0x26f: {  	(erf) = vrcp.f32 v9;
	_ =	sdelay $0x2  }
0x270: {  	s22 =	sadd.s32 $0x40, s21  }
0x271: {  	v9 =	vor.u32 s22, v0  }
0x272: {  	v10 =	vmulhi.u32 $0x51EB851F, v9;
	v11 =	vsub.s32 v9, v6  }
0x273: {  	v11 =	vmul.u32 $0xA, v11  }
0x274: {  	v10 =	vshrl.u32 v10, $0x5  }
0x275: {  	v12 =	vmul.u32 $0xFFFFFF9C, v10;
	v10 =	vcvt.s32.f32 v10  }
0x276: {  	v13 =	vpop (erf)  }
0x277: {  	v9 =	vadd.s32 v9, v12;
	v7 =	vmul.f32 v13, v7  }
0x278: {  	v9 =	vcvt.s32.f32 v9  }
0x279: {  	[tilespmem:v11+s11+$0x0] =	vst.idx.msk $0xffff, v7  }
0x27a: {  	v7 =	vld [tilespmem:s20+$0xFFFF3CB0]  }
0x27b: {  	[tilespmem:s20+$0xFFFF3CB0] =	vst v2  }
0x27c: {  	v12 =	vor.u32 $0x1, v11;
	_ =	sdelay $0x2  }
0x27d: {  	v7 =	vmul.f32 v7, v13;
	_ =	sdelay $0x1  }
0x27e: {  	[tilespmem:v12+s11+$0x0] =	vst.idx.msk $0xffff, v7  }
0x27f: {  	v7 =	vld [tilespmem:s20+$0xFFFF63C0]  }
0x280: {  	[tilespmem:s20+$0xFFFF63C0] =	vst v2  }
0x281: {  	v12 =	vadd.s32 $0x2, v11;
	_ =	sdelay $0x2  }
0x282: {  	v7 =	vmul.f32 v7, v13;
	_ =	sdelay $0x1  }
0x283: {  	[tilespmem:v12+s11+$0x0] =	vst.idx.msk $0xffff, v7  }
0x284: {  	v7 =	vld [tilespmem:s20+$0xFFFF8AD0]  }
0x285: {  	[tilespmem:s20+$0xFFFF8AD0] =	vst v2  }
0x286: {  	v12 =	vadd.s32 $0x3, v11;
	_ =	sdelay $0x2  }
0x287: {  	v7 =	vmul.f32 v7, v13;
	_ =	sdelay $0x1  }
0x288: {  	[tilespmem:v12+s11+$0x0] =	vst.idx.msk $0xffff, v7  }
0x289: {  	v7 =	vld [tilespmem:s20+$0xFFFFB1E0]  }
0x28a: {  	[tilespmem:s20+$0xFFFFB1E0] =	vst v2  }
0x28b: {  	v12 =	vadd.s32 $0x4, v11;
	_ =	sdelay $0x2  }
0x28c: {  	v7 =	vmul.f32 v7, v13;
	_ =	sdelay $0x1  }
0x28d: {  	[tilespmem:v12+s11+$0x0] =	vst.idx.msk $0xffff, v7  }
0x28e: {  	v7 =	vld [tilespmem:s20+$0xFFFFD8F0]  }
0x28f: {  	[tilespmem:s20+$0xFFFFD8F0] =	vst v2  }
0x290: {  	v12 =	vadd.s32 $0x5, v11;
	_ =	sdelay $0x1  }
0x291: {  	v14 =	vadd.s32 $0x6, v11  }
0x292: {  	v7 =	vmul.f32 v7, v13;
	v13 =	vadd.s32 $0x7, v11  }
0x293: {  	v15 =	vadd.s32 $0x8, v11  }
.Ltmp9:
0x294: {  	[tilespmem:v12+s11+$0x0] =	vst.idx.msk $0xffff, v7;
	v7 =	vadd.s32 $0x9, v11;
	(pc) =	sbr.rel @p0 .LBB2_13-.Ltmp9, $4  }
0x295: {  	v10 =	vmul.f32 $9.999999770e-03, v10;
	[tilespmem:s20+$0x0] =	vst v2  }
0x296: {  	v9 =	vmul.f32 $9.999999770e-03, v9;
	[tilespmem:v14+s11+$0x0] =	vst.idx.msk $0xffff, v5  }
0x297: {  	[tilespmem:v13+s11+$0x0] =	vst.idx.msk $0xffff, v10  }
0x298: {  	v8 =	vmin.f32 v8, $1.000000000e+00;
	[tilespmem:v15+s11+$0x0] =	vst.idx.msk $0xffff, v9  }
0x299: {  	s19 =	smul.u32 $0x4E20, s18;
	_ =	sdelay $0x1  }
0x29a: {  	s19 =	sadd.s32 s15, s19  }
0x29b: {  	s18 =	sadd.s32 $0x1, s18;
	s19 =	sshrl.u32 s19, $0x3  }
0x29c: {  	[tilespmem:v7+s11+$0x0] =	vst.idx.msk $0xffff, v8;
	p0 =	sne.s32 s18, $0x5;
	s19 =	sadd.s32 s2, s19  }
0x29d: {  	[hbm4b:s19+s3] =	stream.linear.scatter [tilespmem:s11], [sflag:$0x3], $0x4E20, $0x38;
	[tilespmem:$0x1C000] =	vst v63  }
.Ltmp10:
0x29e: {  	_ = 	snop;
	(pc) =	sbr.rel @p0 .LBB2_12-.Ltmp10, $4  }
.Ltmp11:
0x29f: {  	_ = 	snop;
	(pc) =	sbr.rel @!p0 .LBB2_15-.Ltmp11, $4  }
0x2a0: {  	_ =	swait.ge [sflag:s12], $0x4E20  }
0x2a1: {  	[sflag:s12] =	ssyncset.done $0x0  }
0x2a2: {  	s16 =	sadd.s32 $0x7D0, s16;
	s17 =	sadd.s32 $0x7D0, s17;
	[sflag:s12] =	ssyncadd.s32 $0xFFFFB1E0  }
0x2a3: {  	_ = 	snop  }
.LBB2_17:
0x2a4: {  	_ =	sfence.sel $0x180000  }
0x2a5: {  	[bflag:$0x0] =	sbarrier.arrive $0xFFFF  }
0x2a6: {  	p0 =	sne.s32 s4, $0x0;
	_ =	strace $0x90000047  }
0x2a7: {  	s0 =	sadd.s32 @!p0 $0x100000, s0;
	[bflag:$0x2] =	sbarrier.arrive $0xFFFF  }
0x2a8: {  	[sflag:s0] =	ssyncadd.tile.s32 @!p0 $0x1;
	_ =	shalt  }
.Lfunc_end2:
_tile_overlayer_lowered:
.L_overlay_start_2:
0x2a9: {  	(tag) =	ssettag $0x2  }
0x2aa: {  	s0 =	rddreg [dreg:$0x0];
	s2 =	stileid.u32  }
0x2ab: {  	s1 =	rddreg [dreg:$0x1];
	p0 =	sne.s32 s2, $0x0  }
0x2ac: {  	s3 =	rddreg [dreg:$0x2];
	[bflag:$0x3] =	sbarrier.arrive $0xFFFF;
	s2 =	simm.s32 @!p0 $0x1C03  }
0x2ad: {  	[timem:s3], [sflag:s2] =	dma.local @!p0 [hbm:s0], s1  }
0x2ae: {  	s0 =	simm.s32 @!p0 $0x3  }
0x2af: {  	_ =	swait.ge @!p0 [sflag:s0], s1  }
0x2b0: {  	s1 =	ssub.s32 @!p0 $0x0, s1;
	[sflag:s0] =	ssyncset.done @!p0 $0x0  }
0x2b1: {  	[sflag:s0] =	ssyncadd.s32 @!p0 s1  }
0x2b2: {  	[bflag:$0x3] =	sbarrier.arrive $0xFFFF  }
0x2b3: {  	_ =	shalt  }

</sc_bundles>
